<compile_context>
chip_gen: v7x
topology: tpu7x:2x2x1
jax: 0.10.2.dev20260603
libtpu: 0.0.44.dev20260713+nightly
codegen_flags: <defaults>
</compile_context>

<pallas_src>
import functools

import jax
import jax.numpy as jnp
from jax import lax
from jax.experimental import pallas as pl
from jax.experimental.pallas import tpu as pltpu
from jax.experimental.pallas import tpu_sc as plsc

_N = 10000
_E = 320000
_D = 128
_H = 128

_NC = 2
_NS = 16
_CH = 80
_NJ = _E // (_NC * _NS * _CH)

_mesh = plsc.VectorSubcoreMesh(core_axis_name="c", subcore_axis_name="s")


def _deg_body(srcr, dstr, zn, out_s, out_d, deg_s, deg_d,
              src_v, dst_v, ones_v, sem):
    c = lax.axis_index("c")
    s = lax.axis_index("s")
    for i in range(_CH // 16):
        ones_v[pl.ds(16 * i, 16)] = jnp.ones((16,), jnp.float32)

    @pl.when(s == 0)
    def _():
        pltpu.sync_copy(zn, deg_s)

    @pl.when(s == 1)
    def _():
        pltpu.sync_copy(zn, deg_d)

    pltpu.sync_copy(srcr.at[c, s], src_v)
    pltpu.sync_copy(dstr.at[c, s], dst_v)
    plsc.subcore_barrier()

    def batch(t, carry):
        for k in range(4):
            j = 4 * t + k
            pltpu.async_copy(ones_v, deg_s.at[src_v.at[j]], sem, add=True)
            pltpu.async_copy(ones_v, deg_d.at[dst_v.at[j]], sem, add=True)
        for k in range(4):
            j = 4 * t + k
            pltpu.make_async_copy(ones_v, deg_s.at[src_v.at[j]], sem).wait()
            pltpu.make_async_copy(ones_v, deg_d.at[dst_v.at[j]], sem).wait()
        return carry

    lax.fori_loop(0, _NJ // 4, batch, 0)
    pltpu.sync_copy(ones_v, deg_s.at[src_v.at[_NJ - 1]], add=True)
    pltpu.sync_copy(ones_v, deg_d.at[dst_v.at[_NJ - 1]], add=True)
    plsc.subcore_barrier()

    @pl.when(s == 0)
    def _():
        pltpu.sync_copy(deg_s, out_s.at[c])

    @pl.when(s == 1)
    def _():
        pltpu.sync_copy(deg_d, out_d.at[c])


_sc_degrees = functools.partial(
    pl.kernel,
    _deg_body,
    out_type=(
        jax.ShapeDtypeStruct((_NC, _N), jnp.float32),
        jax.ShapeDtypeStruct((_NC, _N), jnp.float32),
    ),
    mesh=_mesh,
    scratch_types=[
        pltpu.VMEM_SHARED((_N,), jnp.float32),
        pltpu.VMEM_SHARED((_N,), jnp.float32),
        pltpu.VMEM((_NJ, _CH), jnp.int32),
        pltpu.VMEM((_NJ, _CH), jnp.int32),
        pltpu.VMEM((_CH,), jnp.float32),
        pltpu.SemaphoreType.DMA,
    ],
)()


def _agg_body(h, srcr, dstr, zr, out, agg, src_v, dst_v,
              rows_a, rows_b, gsem, ssem):
    c = lax.axis_index("c")
    s = lax.axis_index("s")
    base = jnp.where(s < 14, s * 632, 8848 + (s - 14) * 576)
    for k in range(4):
        pltpu.async_copy(zr, agg.at[pl.ds(base + k * 128, 128)], gsem)

    @pl.when(s < 14)
    def _():
        pltpu.async_copy(zr.at[pl.ds(0, 120)],
                         agg.at[pl.ds(base + 512, 120)], gsem)

    @pl.when(s >= 14)
    def _():
        pltpu.async_copy(zr.at[pl.ds(0, 64)],
                         agg.at[pl.ds(base + 512, 64)], gsem)

    pltpu.async_copy(srcr.at[c, s], src_v, gsem)
    pltpu.async_copy(dstr.at[c, s, pl.ds(0, 64)], dst_v, gsem)
    for k in range(4):
        pltpu.make_async_copy(zr, agg.at[pl.ds(base + k * 128, 128)],
                              gsem).wait()

    @pl.when(s < 14)
    def _():
        pltpu.make_async_copy(zr.at[pl.ds(0, 120)],
                              agg.at[pl.ds(base + 512, 120)], gsem).wait()

    @pl.when(s >= 14)
    def _():
        pltpu.make_async_copy(zr.at[pl.ds(0, 64)],
                              agg.at[pl.ds(base + 512, 64)], gsem).wait()

    pltpu.make_async_copy(srcr.at[c, s], src_v, gsem).wait()
    pltpu.make_async_copy(dstr.at[c, s, pl.ds(0, 64)], dst_v, gsem).wait()
    plsc.subcore_barrier()

    def _gather(j, buf):
        pltpu.async_copy(h.at[src_v.at[j]], buf, gsem)

    def _gwait(j, buf):
        pltpu.make_async_copy(h.at[src_v.at[j]], buf, gsem).wait()

    def _scat(il, buf):
        pltpu.async_copy(buf, agg.at[dst_v.at[il]], ssem, add=True)

    def _swait(il, buf):
        pltpu.make_async_copy(buf, agg.at[dst_v.at[il]], ssem).wait()

    _gather(0, rows_a)

    def pair(t, carry):
        ja = 2 * t
        jb = ja + 1

        @pl.when(ja == 64)
        def _():
            pltpu.sync_copy(dstr.at[c, s, pl.ds(64, _NJ - 64)],
                            dst_v.at[pl.ds(0, _NJ - 64)])

        ila = jnp.where(ja >= 64, ja - 64, ja)
        ilb = ila + 1
        ilprev = jnp.where(ja == 64, 63, ila - 1)
        _gwait(ja, rows_a)

        @pl.when(t > 0)
        def _():
            _swait(ilprev, rows_b)

        _scat(ila, rows_a)
        _gather(jb, rows_b)
        _gwait(jb, rows_b)
        _swait(ila, rows_a)
        _scat(ilb, rows_b)
        _gather(ja + 2, rows_a)
        return carry

    lax.fori_loop(0, (_NJ - 1) // 2, pair, 0)
    _gwait(_NJ - 1, rows_a)
    _swait(_NJ - 2 - 64, rows_b)
    _scat(_NJ - 1 - 64, rows_a)
    _swait(_NJ - 1 - 64, rows_a)
    plsc.subcore_barrier()

    @pl.when(s < 14)
    def _():
        pltpu.sync_copy(agg.at[pl.ds(base, 632)], out.at[c, pl.ds(base, 632)])

    @pl.when(s >= 14)
    def _():
        pltpu.sync_copy(agg.at[pl.ds(base, 576)], out.at[c, pl.ds(base, 576)])


_sc_scatter = functools.partial(
    pl.kernel,
    _agg_body,
    out_type=jax.ShapeDtypeStruct((_NC, _N, _D), jnp.float32),
    mesh=_mesh,
    scratch_types=[
        pltpu.VMEM_SHARED((_N, _D), jnp.float32),
        pltpu.VMEM((_NJ, _CH), jnp.int32),
        pltpu.VMEM((64, _CH), jnp.int32),
        pltpu.VMEM((_CH, _D), jnp.float32),
        pltpu.VMEM((_CH, _D), jnp.float32),
        pltpu.SemaphoreType.DMA,
        pltpu.SemaphoreType.DMA,
    ],
)()


_BLK = 2000


def _scale_body(x_ref, d0_ref, d1_ref, h_ref):
    d = d0_ref[...] + d1_ref[...]
    norm = jnp.where(d > 0.0, lax.rsqrt(d), 0.0)
    h_ref[...] = x_ref[...] * norm


_tc_scale = pl.pallas_call(
    _scale_body,
    grid=(_N // _BLK,),
    in_specs=[
        pl.BlockSpec((_BLK, _D), lambda i: (i, 0)),
        pl.BlockSpec((_BLK, 1), lambda i: (i, 0)),
        pl.BlockSpec((_BLK, 1), lambda i: (i, 0)),
    ],
    out_specs=pl.BlockSpec((_BLK, _D), lambda i: (i, 0)),
    out_shape=jax.ShapeDtypeStruct((_N, _D), jnp.float32),
)


def _head_body(p_ref, d0_ref, d1_ref, wgc_ref, bgc_ref, wf_ref, bf_ref,
               wc_ref, bc_ref, y_ref, z_ref):
    d = d0_ref[...] + d1_ref[...]
    nd = jnp.where(d > 0.0, lax.rsqrt(d), 0.0)
    agg = (p_ref[0] + p_ref[1]) * nd
    z0 = jnp.dot(agg, wgc_ref[...],
                 preferred_element_type=jnp.float32) + bgc_ref[...]
    z = jnp.maximum(
        jnp.dot(z0, wf_ref[...],
                preferred_element_type=jnp.float32) + bf_ref[...], 0.0)
    y = jnp.dot(z, wc_ref[...],
                preferred_element_type=jnp.float32) + bc_ref[...]
    y_ref[...] = y
    z_ref[...] = z


_tc_head = pl.pallas_call(
    _head_body,
    grid=(_N // _BLK,),
    in_specs=[
        pl.BlockSpec((_NC, _BLK, _D), lambda i: (0, i, 0)),
        pl.BlockSpec((_BLK, 1), lambda i: (i, 0)),
        pl.BlockSpec((_BLK, 1), lambda i: (i, 0)),
        pl.BlockSpec((_D, _H), lambda i: (0, 0)),
        pl.BlockSpec((_H,), lambda i: (0,)),
        pl.BlockSpec((_H, _H), lambda i: (0, 0)),
        pl.BlockSpec((_H,), lambda i: (0,)),
        pl.BlockSpec((_H, 1), lambda i: (0, 0)),
        pl.BlockSpec((1,), lambda i: (0,)),
    ],
    out_specs=(
        pl.BlockSpec((_BLK, 1), lambda i: (i, 0)),
        pl.BlockSpec((_BLK, _H), lambda i: (i, 0)),
    ),
    out_shape=(
        jax.ShapeDtypeStruct((_N, 1), jnp.float32),
        jax.ShapeDtypeStruct((_N, _H), jnp.float32),
    ),
)


def kernel(x, edge_index, W_gc, b_gc, W_fair, b_fair, W_cls, b_cls):
    src = edge_index[0].reshape(_NC, _NS, _NJ, _CH)
    dst = edge_index[1].reshape(_NC, _NS, _NJ, _CH)
    zn = jnp.zeros((_N,), jnp.float32)
    zr = jnp.zeros((128, _D), jnp.float32)

    deg_s, deg_d = _sc_degrees(src, dst, zn)
    ds0 = deg_s[0].reshape(_N, 1)
    ds1 = deg_s[1].reshape(_N, 1)
    dd0 = deg_d[0].reshape(_N, 1)
    dd1 = deg_d[1].reshape(_N, 1)

    h = _tc_scale(x, ds0, ds1)
    p = _sc_scatter(h, src, dst, zr)
    y, z = _tc_head(p, dd0, dd1, W_gc, b_gc, W_fair, b_fair, W_cls, b_cls)
    return (y, z)

# --- scband reference (transcript-rebuilt; emitter-appended) ---
"""Pipeline reference for scband-fair-gnn-81801947119965 (READ-ONLY COPY).

The authoritative reference and input builder live on the scoring server;
editing this copy changes nothing except your own understanding.
"""

import jax, jax.numpy as jnp
import numpy as np

N = 10000
E = 320000
D = 128
H = 128


def setup_inputs(seed: int = 0) -> dict:
    key = jax.random.key(seed)
    ks = jax.random.split(key, 8)
    x = jax.random.normal(ks[0], (N, D), dtype=jnp.float32)
    edge_index = jax.random.randint(ks[1], (2, E), 0, N, dtype=jnp.int32)
    # GCN body (single GraphConv layer nfeat -> nhid, as in FairGNN's GCN_Body)
    W_gc = jax.random.normal(ks[2], (D, H), dtype=jnp.float32) / np.sqrt(D)
    b_gc = jnp.zeros((H,), dtype=jnp.float32)
    # fairness layer: Linear(nhid, nhid) + ReLU
    W_fair = jax.random.normal(ks[3], (H, H), dtype=jnp.float32) / np.sqrt(H)
    b_fair = jnp.zeros((H,), dtype=jnp.float32)
    # classifier: Linear(nhid, 1)
    W_cls = jax.random.normal(ks[4], (H, 1), dtype=jnp.float32) / np.sqrt(H)
    b_cls = jnp.zeros((1,), dtype=jnp.float32)
    return {
        'x': x,
        'edge_index': edge_index,
        'W_gc': W_gc, 'b_gc': b_gc,
        'W_fair': W_fair, 'b_fair': b_fair,
        'W_cls': W_cls, 'b_cls': b_cls,
    }


def reference(x, edge_index, W_gc, b_gc, W_fair, b_fair, W_cls, b_cls):
    src = edge_index[0]
    dst = edge_index[1]
    ones = jnp.ones((E,), dtype=jnp.float32)
    deg_out = jax.ops.segment_sum(ones, src, num_segments=N)
    deg_in = jax.ops.segment_sum(ones, dst, num_segments=N)
    norm_src = jnp.where(deg_out > 0, deg_out ** -0.5, 0.0)
    norm_dst = jnp.where(deg_in > 0, deg_in ** -0.5, 0.0)
    # symmetric-normalized GCN propagation: D^{-1/2} A D^{-1/2} X W + b
    h = x * norm_src[:, None]
    msgs = jnp.take(h, src, axis=0)
    agg = jax.ops.segment_sum(msgs, dst, num_segments=N)
    agg = agg * norm_dst[:, None]
    z0 = agg @ W_gc + b_gc
    # fairness_layer: Linear + ReLU
    z = jax.nn.relu(z0 @ W_fair + b_fair)
    # classifier
    y = z @ W_cls + b_cls
    return (y, z)

if __name__ == "__main__":
    import jax
    _d = setup_inputs()
    print(jax.jit(kernel)(*tuple(_d.values())))

</pallas_src>

<mosaic_0001>
#map = affine_map<(d0, d1) -> (0, 0, 0, 0)>
#map1 = affine_map<(d0, d1) -> (0)>
#map2 = affine_map<(d0, d1) -> (0, 0)>
module attributes {stable_mosaic.version = 14 : i64} {
  func.func @_deg_body(%arg0: i32, %arg1: i32, %arg2: memref<2x16x125x80xi32, #tpu.memory_space<hbm>>, %arg3: memref<2x16x125x80xi32, #tpu.memory_space<hbm>>, %arg4: memref<10000xf32, #tpu.memory_space<hbm>>, %arg5: memref<2x10000xf32, #tpu.memory_space<hbm>>, %arg6: memref<2x10000xf32, #tpu.memory_space<hbm>>, %arg7: memref<10000xf32, #tpu.memory_space<vmem_shared>>, %arg8: memref<10000xf32, #tpu.memory_space<vmem_shared>>, %arg9: memref<125x80xi32, #tpu.memory_space<vmem>>, %arg10: memref<125x80xi32, #tpu.memory_space<vmem>>, %arg11: memref<80xf32, #tpu.memory_space<vmem>>, %arg12: memref<!tpu.dma_semaphore, #tpu.memory_space<semaphore_mem>>) attributes {dimension_semantics = [#tpu.dimension_semantics<core_parallel>, #tpu.dimension_semantics<subcore_parallel>], iteration_bounds = array<i64: 2, 16>, scalar_prefetch = 0 : i64, scratch_operands = 6 : i64, tpu.core_type = #tpu.core_type<sc_vector_subcore>, window_params = [{transform_indices = #map}, {transform_indices = #map}, {transform_indices = #map1}, {transform_indices = #map2}, {transform_indices = #map2}]} {
    %broadcast_in_dim3A = arith.constant 1.000000e+00 : f32
    %broadcast_in_dim3A_0 = vector.broadcast %broadcast_in_dim3A : f32 to vector<16xf32>
    %swap3A = arith.constant 0 : index
    %swap3A_1 = tpu.vector_load %arg11[%swap3A] {strides = array<i32>} : memref<80xf32, #tpu.memory_space<vmem>>, vector<16xf32>,
    %swap3A_2 = vector.shape_cast %swap3A_1 : vector<16xf32> to vector<16xf32>
    %swap3A_3 = vector.shape_cast %broadcast_in_dim3A_0 : vector<16xf32> to vector<16xf32>
    tpu.vector_store %arg11[%swap3A], %swap3A_3 {strides = array<i32>} : memref<80xf32, #tpu.memory_space<vmem>>, vector<16xf32>,
    %broadcast_in_dim3A_4 = arith.constant 1.000000e+00 : f32
    %broadcast_in_dim3A_5 = vector.broadcast %broadcast_in_dim3A_4 : f32 to vector<16xf32>
    %swap3A_6 = arith.constant 16 : index
    %swap3A_7 = tpu.vector_load %arg11[%swap3A_6] {strides = array<i32>} : memref<80xf32, #tpu.memory_space<vmem>>, vector<16xf32>,
    %swap3A_8 = vector.shape_cast %swap3A_7 : vector<16xf32> to vector<16xf32>
    %swap3A_9 = vector.shape_cast %broadcast_in_dim3A_5 : vector<16xf32> to vector<16xf32>
    tpu.vector_store %arg11[%swap3A_6], %swap3A_9 {strides = array<i32>} : memref<80xf32, #tpu.memory_space<vmem>>, vector<16xf32>,
    %broadcast_in_dim3A_10 = arith.constant 1.000000e+00 : f32
    %broadcast_in_dim3A_11 = vector.broadcast %broadcast_in_dim3A_10 : f32 to vector<16xf32>
    %swap3A_12 = arith.constant 32 : index
    %swap3A_13 = tpu.vector_load %arg11[%swap3A_12] {strides = array<i32>} : memref<80xf32, #tpu.memory_space<vmem>>, vector<16xf32>,
    %swap3A_14 = vector.shape_cast %swap3A_13 : vector<16xf32> to vector<16xf32>
    %swap3A_15 = vector.shape_cast %broadcast_in_dim3A_11 : vector<16xf32> to vector<16xf32>
    tpu.vector_store %arg11[%swap3A_12], %swap3A_15 {strides = array<i32>} : memref<80xf32, #tpu.memory_space<vmem>>, vector<16xf32>,
    %broadcast_in_dim3A_16 = arith.constant 1.000000e+00 : f32
    %broadcast_in_dim3A_17 = vector.broadcast %broadcast_in_dim3A_16 : f32 to vector<16xf32>
    %swap3A_18 = arith.constant 48 : index
    %swap3A_19 = tpu.vector_load %arg11[%swap3A_18] {strides = array<i32>} : memref<80xf32, #tpu.memory_space<vmem>>, vector<16xf32>,
    %swap3A_20 = vector.shape_cast %swap3A_19 : vector<16xf32> to vector<16xf32>
    %swap3A_21 = vector.shape_cast %broadcast_in_dim3A_17 : vector<16xf32> to vector<16xf32>
    tpu.vector_store %arg11[%swap3A_18], %swap3A_21 {strides = array<i32>} : memref<80xf32, #tpu.memory_space<vmem>>, vector<16xf32>,
    %broadcast_in_dim3A_22 = arith.constant 1.000000e+00 : f32
    %broadcast_in_dim3A_23 = vector.broadcast %broadcast_in_dim3A_22 : f32 to vector<16xf32>
    %swap3A_24 = arith.constant 64 : index
    %swap3A_25 = tpu.vector_load %arg11[%swap3A_24] {strides = array<i32>} : memref<80xf32, #tpu.memory_space<vmem>>, vector<16xf32>,
    %swap3A_26 = vector.shape_cast %swap3A_25 : vector<16xf32> to vector<16xf32>
    %swap3A_27 = vector.shape_cast %broadcast_in_dim3A_23 : vector<16xf32> to vector<16xf32>
    tpu.vector_store %arg11[%swap3A_24], %swap3A_27 {strides = array<i32>} : memref<80xf32, #tpu.memory_space<vmem>>, vector<16xf32>,
    %eq3A = arith.constant 0 : i32
    %eq3A_28 = arith.cmpi eq, %arg1, %eq3A : i32
    %convert_element_type3A = arith.extui %eq3A_28 : i1 to i32
    %cond3A = arith.constant 0 : i32
    %cond3A_29 = arith.cmpi ne, %convert_element_type3A, %cond3A : i32
    scf.if %cond3A_29 {
      "tpu.region"() ({
        %run_scoped3A_52 = tpu.sem_alloc : memref<!tpu.dma_semaphore, #tpu.memory_space<semaphore_mem>>
        tpu.enqueue_dma source(%arg4 : memref<10000xf32, #tpu.memory_space<hbm>>) target(%arg7 : memref<10000xf32, #tpu.memory_space<vmem_shared>>) target_semaphore(%run_scoped3A_52 : memref<!tpu.dma_semaphore, #tpu.memory_space<semaphore_mem>>)
        tpu.wait_dma2 semaphore(%run_scoped3A_52 : memref<!tpu.dma_semaphore, #tpu.memory_space<semaphore_mem>>) src(%arg4 : memref<10000xf32, #tpu.memory_space<hbm>>) dst(%arg7 : memref<10000xf32, #tpu.memory_space<vmem_shared>>)
        tpu.yield
      }) : () -> ()
    } else {
    }
    %eq3A_30 = arith.constant 1 : i32
    %eq3A_31 = arith.cmpi eq, %arg1, %eq3A_30 : i32
    %convert_element_type3A_32 = arith.extui %eq3A_31 : i1 to i32
    %cond3A_33 = arith.constant 0 : i32
    %cond3A_34 = arith.cmpi ne, %convert_element_type3A_32, %cond3A_33 : i32
    scf.if %cond3A_34 {
      "tpu.region"() ({
        %run_scoped3A_52 = tpu.sem_alloc : memref<!tpu.dma_semaphore, #tpu.memory_space<semaphore_mem>>
        tpu.enqueue_dma source(%arg4 : memref<10000xf32, #tpu.memory_space<hbm>>) target(%arg8 : memref<10000xf32, #tpu.memory_space<vmem_shared>>) target_semaphore(%run_scoped3A_52 : memref<!tpu.dma_semaphore, #tpu.memory_space<semaphore_mem>>)
        tpu.wait_dma2 semaphore(%run_scoped3A_52 : memref<!tpu.dma_semaphore, #tpu.memory_space<semaphore_mem>>) src(%arg4 : memref<10000xf32, #tpu.memory_space<hbm>>) dst(%arg8 : memref<10000xf32, #tpu.memory_space<vmem_shared>>)
        tpu.yield
      }) : () -> ()
    } else {
    }
    "tpu.region"() ({
      %run_scoped3A_52 = tpu.sem_alloc : memref<!tpu.dma_semaphore, #tpu.memory_space<semaphore_mem>>
      %dma_start3A = arith.constant 0 : i32
      %dma_start3A_53 = arith.constant 0 : i32
      %dma_start3A_54 = tpu.memref_slice %arg2[%arg0, %arg1, %dma_start3A, %dma_start3A_53] : memref<2x16x125x80xi32, #tpu.memory_space<hbm>> -> memref<1x1x125x80xi32, #tpu.memory_space<hbm>>
      %dma_start3A_55 = tpu.memref_squeeze %dma_start3A_54 : memref<1x1x125x80xi32, #tpu.memory_space<hbm>> -> memref<125x80xi32, #tpu.memory_space<hbm>>
      %dma_start3A_56 = arith.constant 0 : i32
      %dma_start3A_57 = arith.constant 0 : i32
      %dma_start3A_58 = tpu.memref_slice %arg2[%arg0, %arg1, %dma_start3A_56, %dma_start3A_57] : memref<2x16x125x80xi32, #tpu.memory_space<hbm>> -> memref<1x1x125x80xi32, #tpu.memory_space<hbm>>
      %dma_start3A_59 = tpu.memref_squeeze %dma_start3A_58 : memref<1x1x125x80xi32, #tpu.memory_space<hbm>> -> memref<125x80xi32, #tpu.memory_space<hbm>>
      tpu.enqueue_dma source(%dma_start3A_59 : memref<125x80xi32, #tpu.memory_space<hbm>>) target(%arg9 : memref<125x80xi32, #tpu.memory_space<vmem>>) target_semaphore(%run_scoped3A_52 : memref<!tpu.dma_semaphore, #tpu.memory_space<semaphore_mem>>)
      %dma_wait3A = arith.constant 0 : i32
      %dma_wait3A_60 = arith.constant 0 : i32
      %dma_wait3A_61 = tpu.memref_slice %arg2[%arg0, %arg1, %dma_wait3A, %dma_wait3A_60] : memref<2x16x125x80xi32, #tpu.memory_space<hbm>> -> memref<1x1x125x80xi32, #tpu.memory_space<hbm>>
      %dma_wait3A_62 = tpu.memref_squeeze %dma_wait3A_61 : memref<1x1x125x80xi32, #tpu.memory_space<hbm>> -> memref<125x80xi32, #tpu.memory_space<hbm>>
      %dma_wait3A_63 = arith.constant 0 : i32
      %dma_wait3A_64 = arith.constant 0 : i32
      %dma_wait3A_65 = tpu.memref_slice %arg2[%arg0, %arg1, %dma_wait3A_63, %dma_wait3A_64] : memref<2x16x125x80xi32, #tpu.memory_space<hbm>> -> memref<1x1x125x80xi32, #tpu.memory_space<hbm>>
      %dma_wait3A_66 = tpu.memref_squeeze %dma_wait3A_65 : memref<1x1x125x80xi32, #tpu.memory_space<hbm>> -> memref<125x80xi32, #tpu.memory_space<hbm>>
      tpu.wait_dma2 semaphore(%run_scoped3A_52 : memref<!tpu.dma_semaphore, #tpu.memory_space<semaphore_mem>>) src(%dma_wait3A_66 : memref<125x80xi32, #tpu.memory_space<hbm>>) dst(%arg9 : memref<125x80xi32, #tpu.memory_space<vmem>>)
      tpu.yield
    }) : () -> ()
    "tpu.region"() ({
      %run_scoped3A_52 = tpu.sem_alloc : memref<!tpu.dma_semaphore, #tpu.memory_space<semaphore_mem>>
      %dma_start3A = arith.constant 0 : i32
      %dma_start3A_53 = arith.constant 0 : i32
      %dma_start3A_54 = tpu.memref_slice %arg3[%arg0, %arg1, %dma_start3A, %dma_start3A_53] : memref<2x16x125x80xi32, #tpu.memory_space<hbm>> -> memref<1x1x125x80xi32, #tpu.memory_space<hbm>>
      %dma_start3A_55 = tpu.memref_squeeze %dma_start3A_54 : memref<1x1x125x80xi32, #tpu.memory_space<hbm>> -> memref<125x80xi32, #tpu.memory_space<hbm>>
      %dma_start3A_56 = arith.constant 0 : i32
      %dma_start3A_57 = arith.constant 0 : i32
      %dma_start3A_58 = tpu.memref_slice %arg3[%arg0, %arg1, %dma_start3A_56, %dma_start3A_57] : memref<2x16x125x80xi32, #tpu.memory_space<hbm>> -> memref<1x1x125x80xi32, #tpu.memory_space<hbm>>
      %dma_start3A_59 = tpu.memref_squeeze %dma_start3A_58 : memref<1x1x125x80xi32, #tpu.memory_space<hbm>> -> memref<125x80xi32, #tpu.memory_space<hbm>>
      tpu.enqueue_dma source(%dma_start3A_59 : memref<125x80xi32, #tpu.memory_space<hbm>>) target(%arg10 : memref<125x80xi32, #tpu.memory_space<vmem>>) target_semaphore(%run_scoped3A_52 : memref<!tpu.dma_semaphore, #tpu.memory_space<semaphore_mem>>)
      %dma_wait3A = arith.constant 0 : i32
      %dma_wait3A_60 = arith.constant 0 : i32
      %dma_wait3A_61 = tpu.memref_slice %arg3[%arg0, %arg1, %dma_wait3A, %dma_wait3A_60] : memref<2x16x125x80xi32, #tpu.memory_space<hbm>> -> memref<1x1x125x80xi32, #tpu.memory_space<hbm>>
      %dma_wait3A_62 = tpu.memref_squeeze %dma_wait3A_61 : memref<1x1x125x80xi32, #tpu.memory_space<hbm>> -> memref<125x80xi32, #tpu.memory_space<hbm>>
      %dma_wait3A_63 = arith.constant 0 : i32
      %dma_wait3A_64 = arith.constant 0 : i32
      %dma_wait3A_65 = tpu.memref_slice %arg3[%arg0, %arg1, %dma_wait3A_63, %dma_wait3A_64] : memref<2x16x125x80xi32, #tpu.memory_space<hbm>> -> memref<1x1x125x80xi32, #tpu.memory_space<hbm>>
      %dma_wait3A_66 = tpu.memref_squeeze %dma_wait3A_65 : memref<1x1x125x80xi32, #tpu.memory_space<hbm>> -> memref<125x80xi32, #tpu.memory_space<hbm>>
      tpu.wait_dma2 semaphore(%run_scoped3A_52 : memref<!tpu.dma_semaphore, #tpu.memory_space<semaphore_mem>>) src(%dma_wait3A_66 : memref<125x80xi32, #tpu.memory_space<hbm>>) dst(%arg10 : memref<125x80xi32, #tpu.memory_space<vmem>>)
      tpu.yield
    }) : () -> ()
    %barrier3A = arith.constant 0 : index
    tpu.barrier barrier_id(%barrier3A)
    %scan3A = arith.constant 0 : i32
    %scan3A_35 = arith.constant 0 : i32
    %scan3A_36 = arith.constant 31 : i32
    %scan3A_37 = arith.addi %scan3A_35, %scan3A_36 : i32
    %scan3A_38 = arith.constant 1 : i32
    scf.for %scan3A_52 = %scan3A_35 to %scan3A_37 step %scan3A_38  : i32 {
      %mul3A = arith.constant 4 : i32
      %mul3A_53 = arith.muli %mul3A, %scan3A_52 : i32
      %add3A = arith.constant 0 : i32
      %add3A_54 = arith.addi %mul3A_53, %add3A : i32
      %dma_start3A = arith.constant 0 : i32
      %dma_start3A_55 = tpu.memref_slice %arg9[%add3A_54, %dma_start3A] : memref<125x80xi32, #tpu.memory_space<vmem>> -> memref<1x80xi32, #tpu.memory_space<vmem>>
      %dma_start3A_56 = tpu.memref_squeeze %dma_start3A_55 : memref<1x80xi32, #tpu.memory_space<vmem>> -> memref<80xi32, #tpu.memory_space<vmem>>
      %dma_start3A_57 = arith.constant 0 : i32
      %dma_start3A_58 = tpu.memref_slice %arg7[%dma_start3A_57] : memref<10000xf32, #tpu.memory_space<vmem_shared>> -> memref<10000xf32, #tpu.memory_space<vmem_shared>>
      tpu.enqueue_indirect_dma source(%arg11 : memref<80xf32, #tpu.memory_space<vmem>>) target(%dma_start3A_58 : memref<10000xf32, #tpu.memory_space<vmem_shared>>) offsets(%dma_start3A_56 : memref<80xi32, #tpu.memory_space<vmem>>) semaphore(%arg12 : memref<!tpu.dma_semaphore, #tpu.memory_space<semaphore_mem>>) {add = true}
      %dma_start3A_59 = arith.constant 0 : i32
      %dma_start3A_60 = tpu.memref_slice %arg10[%add3A_54, %dma_start3A_59] : memref<125x80xi32, #tpu.memory_space<vmem>> -> memref<1x80xi32, #tpu.memory_space<vmem>>
      %dma_start3A_61 = tpu.memref_squeeze %dma_start3A_60 : memref<1x80xi32, #tpu.memory_space<vmem>> -> memref<80xi32, #tpu.memory_space<vmem>>
      %dma_start3A_62 = arith.constant 0 : i32
      %dma_start3A_63 = tpu.memref_slice %arg8[%dma_start3A_62] : memref<10000xf32, #tpu.memory_space<vmem_shared>> -> memref<10000xf32, #tpu.memory_space<vmem_shared>>
      tpu.enqueue_indirect_dma source(%arg11 : memref<80xf32, #tpu.memory_space<vmem>>) target(%dma_start3A_63 : memref<10000xf32, #tpu.memory_space<vmem_shared>>) offsets(%dma_start3A_61 : memref<80xi32, #tpu.memory_space<vmem>>) semaphore(%arg12 : memref<!tpu.dma_semaphore, #tpu.memory_space<semaphore_mem>>) {add = true}
      %mul3A_64 = arith.constant 4 : i32
      %mul3A_65 = arith.muli %mul3A_64, %scan3A_52 : i32
      %add3A_66 = arith.constant 1 : i32
      %add3A_67 = arith.addi %mul3A_65, %add3A_66 : i32
      %dma_start3A_68 = arith.constant 0 : i32
      %dma_start3A_69 = tpu.memref_slice %arg9[%add3A_67, %dma_start3A_68] : memref<125x80xi32, #tpu.memory_space<vmem>> -> memref<1x80xi32, #tpu.memory_space<vmem>>
      %dma_start3A_70 = tpu.memref_squeeze %dma_start3A_69 : memref<1x80xi32, #tpu.memory_space<vmem>> -> memref<80xi32, #tpu.memory_space<vmem>>
      %dma_start3A_71 = arith.constant 0 : i32
      %dma_start3A_72 = tpu.memref_slice %arg7[%dma_start3A_71] : memref<10000xf32, #tpu.memory_space<vmem_shared>> -> memref<10000xf32, #tpu.memory_space<vmem_shared>>
      tpu.enqueue_indirect_dma source(%arg11 : memref<80xf32, #tpu.memory_space<vmem>>) target(%dma_start3A_72 : memref<10000xf32, #tpu.memory_space<vmem_shared>>) offsets(%dma_start3A_70 : memref<80xi32, #tpu.memory_space<vmem>>) semaphore(%arg12 : memref<!tpu.dma_semaphore, #tpu.memory_space<semaphore_mem>>) {add = true}
      %dma_start3A_73 = arith.constant 0 : i32
      %dma_start3A_74 = tpu.memref_slice %arg10[%add3A_67, %dma_start3A_73] : memref<125x80xi32, #tpu.memory_space<vmem>> -> memref<1x80xi32, #tpu.memory_space<vmem>>
      %dma_start3A_75 = tpu.memref_squeeze %dma_start3A_74 : memref<1x80xi32, #tpu.memory_space<vmem>> -> memref<80xi32, #tpu.memory_space<vmem>>
      %dma_start3A_76 = arith.constant 0 : i32
      %dma_start3A_77 = tpu.memref_slice %arg8[%dma_start3A_76] : memref<10000xf32, #tpu.memory_space<vmem_shared>> -> memref<10000xf32, #tpu.memory_space<vmem_shared>>
      tpu.enqueue_indirect_dma source(%arg11 : memref<80xf32, #tpu.memory_space<vmem>>) target(%dma_start3A_77 : memref<10000xf32, #tpu.memory_space<vmem_shared>>) offsets(%dma_start3A_75 : memref<80xi32, #tpu.memory_space<vmem>>) semaphore(%arg12 : memref<!tpu.dma_semaphore, #tpu.memory_space<semaphore_mem>>) {add = true}
      %mul3A_78 = arith.constant 4 : i32
      %mul3A_79 = arith.muli %mul3A_78, %scan3A_52 : i32
      %add3A_80 = arith.constant 2 : i32
      %add3A_81 = arith.addi %mul3A_79, %add3A_80 : i32
      %dma_start3A_82 = arith.constant 0 : i32
      %dma_start3A_83 = tpu.memref_slice %arg9[%add3A_81, %dma_start3A_82] : memref<125x80xi32, #tpu.memory_space<vmem>> -> memref<1x80xi32, #tpu.memory_space<vmem>>
      %dma_start3A_84 = tpu.memref_squeeze %dma_start3A_83 : memref<1x80xi32, #tpu.memory_space<vmem>> -> memref<80xi32, #tpu.memory_space<vmem>>
      %dma_start3A_85 = arith.constant 0 : i32
      %dma_start3A_86 = tpu.memref_slice %arg7[%dma_start3A_85] : memref<10000xf32, #tpu.memory_space<vmem_shared>> -> memref<10000xf32, #tpu.memory_space<vmem_shared>>
      tpu.enqueue_indirect_dma source(%arg11 : memref<80xf32, #tpu.memory_space<vmem>>) target(%dma_start3A_86 : memref<10000xf32, #tpu.memory_space<vmem_shared>>) offsets(%dma_start3A_84 : memref<80xi32, #tpu.memory_space<vmem>>) semaphore(%arg12 : memref<!tpu.dma_semaphore, #tpu.memory_space<semaphore_mem>>) {add = true}
      %dma_start3A_87 = arith.constant 0 : i32
      %dma_start3A_88 = tpu.memref_slice %arg10[%add3A_81, %dma_start3A_87] : memref<125x80xi32, #tpu.memory_space<vmem>> -> memref<1x80xi32, #tpu.memory_space<vmem>>
      %dma_start3A_89 = tpu.memref_squeeze %dma_start3A_88 : memref<1x80xi32, #tpu.memory_space<vmem>> -> memref<80xi32, #tpu.memory_space<vmem>>
      %dma_start3A_90 = arith.constant 0 : i32
      %dma_start3A_91 = tpu.memref_slice %arg8[%dma_start3A_90] : memref<10000xf32, #tpu.memory_space<vmem_shared>> -> memref<10000xf32, #tpu.memory_space<vmem_shared>>
      tpu.enqueue_indirect_dma source(%arg11 : memref<80xf32, #tpu.memory_space<vmem>>) target(%dma_start3A_91 : memref<10000xf32, #tpu.memory_space<vmem_shared>>) offsets(%dma_start3A_89 : memref<80xi32, #tpu.memory_space<vmem>>) semaphore(%arg12 : memref<!tpu.dma_semaphore, #tpu.memory_space<semaphore_mem>>) {add = true}
      %mul3A_92 = arith.constant 4 : i32
      %mul3A_93 = arith.muli %mul3A_92, %scan3A_52 : i32
      %add3A_94 = arith.constant 3 : i32
      %add3A_95 = arith.addi %mul3A_93, %add3A_94 : i32
      %dma_start3A_96 = arith.constant 0 : i32
      %dma_start3A_97 = tpu.memref_slice %arg9[%add3A_95, %dma_start3A_96] : memref<125x80xi32, #tpu.memory_space<vmem>> -> memref<1x80xi32, #tpu.memory_space<vmem>>
      %dma_start3A_98 = tpu.memref_squeeze %dma_start3A_97 : memref<1x80xi32, #tpu.memory_space<vmem>> -> memref<80xi32, #tpu.memory_space<vmem>>
      %dma_start3A_99 = arith.constant 0 : i32
      %dma_start3A_100 = tpu.memref_slice %arg7[%dma_start3A_99] : memref<10000xf32, #tpu.memory_space<vmem_shared>> -> memref<10000xf32, #tpu.memory_space<vmem_shared>>
      tpu.enqueue_indirect_dma source(%arg11 : memref<80xf32, #tpu.memory_space<vmem>>) target(%dma_start3A_100 : memref<10000xf32, #tpu.memory_space<vmem_shared>>) offsets(%dma_start3A_98 : memref<80xi32, #tpu.memory_space<vmem>>) semaphore(%arg12 : memref<!tpu.dma_semaphore, #tpu.memory_space<semaphore_mem>>) {add = true}
      %dma_start3A_101 = arith.constant 0 : i32
      %dma_start3A_102 = tpu.memref_slice %arg10[%add3A_95, %dma_start3A_101] : memref<125x80xi32, #tpu.memory_space<vmem>> -> memref<1x80xi32, #tpu.memory_space<vmem>>
      %dma_start3A_103 = tpu.memref_squeeze %dma_start3A_102 : memref<1x80xi32, #tpu.memory_space<vmem>> -> memref<80xi32, #tpu.memory_space<vmem>>
      %dma_start3A_104 = arith.constant 0 : i32
      %dma_start3A_105 = tpu.memref_slice %arg8[%dma_start3A_104] : memref<10000xf32, #tpu.memory_space<vmem_shared>> -> memref<10000xf32, #tpu.memory_space<vmem_shared>>
      tpu.enqueue_indirect_dma source(%arg11 : memref<80xf32, #tpu.memory_space<vmem>>) target(%dma_start3A_105 : memref<10000xf32, #tpu.memory_space<vmem_shared>>) offsets(%dma_start3A_103 : memref<80xi32, #tpu.memory_space<vmem>>) semaphore(%arg12 : memref<!tpu.dma_semaphore, #tpu.memory_space<semaphore_mem>>) {add = true}
      %mul3A_106 = arith.constant 4 : i32
      %mul3A_107 = arith.muli %mul3A_106, %scan3A_52 : i32
      %add3A_108 = arith.constant 0 : i32
      %add3A_109 = arith.addi %mul3A_107, %add3A_108 : i32
      %dma_wait3A = arith.constant 0 : i32
      %dma_wait3A_110 = tpu.memref_slice %arg9[%add3A_109, %dma_wait3A] : memref<125x80xi32, #tpu.memory_space<vmem>> -> memref<1x80xi32, #tpu.memory_space<vmem>>
      %dma_wait3A_111 = tpu.memref_squeeze %dma_wait3A_110 : memref<1x80xi32, #tpu.memory_space<vmem>> -> memref<80xi32, #tpu.memory_space<vmem>>
      %dma_wait3A_112 = arith.constant 0 : i32
      %dma_wait3A_113 = tpu.memref_slice %arg7[%dma_wait3A_112] : memref<10000xf32, #tpu.memory_space<vmem_shared>> -> memref<10000xf32, #tpu.memory_space<vmem_shared>>
      tpu.wait_indirect_dma semaphore(%arg12 : memref<!tpu.dma_semaphore, #tpu.memory_space<semaphore_mem>>) src(%arg11 : memref<80xf32, #tpu.memory_space<vmem>>) dst(%dma_wait3A_113 : memref<10000xf32, #tpu.memory_space<vmem_shared>>)
      %dma_wait3A_114 = arith.constant 0 : i32
      %dma_wait3A_115 = tpu.memref_slice %arg10[%add3A_109, %dma_wait3A_114] : memref<125x80xi32, #tpu.memory_space<vmem>> -> memref<1x80xi32, #tpu.memory_space<vmem>>
      %dma_wait3A_116 = tpu.memref_squeeze %dma_wait3A_115 : memref<1x80xi32, #tpu.memory_space<vmem>> -> memref<80xi32, #tpu.memory_space<vmem>>
      %dma_wait3A_117 = arith.constant 0 : i32
      %dma_wait3A_118 = tpu.memref_slice %arg8[%dma_wait3A_117] : memref<10000xf32, #tpu.memory_space<vmem_shared>> -> memref<10000xf32, #tpu.memory_space<vmem_shared>>
      tpu.wait_indirect_dma semaphore(%arg12 : memref<!tpu.dma_semaphore, #tpu.memory_space<semaphore_mem>>) src(%arg11 : memref<80xf32, #tpu.memory_space<vmem>>) dst(%dma_wait3A_118 : memref<10000xf32, #tpu.memory_space<vmem_shared>>)
      %mul3A_119 = arith.constant 4 : i32
      %mul3A_120 = arith.muli %mul3A_119, %scan3A_52 : i32
      %add3A_121 = arith.constant 1 : i32
      %add3A_122 = arith.addi %mul3A_120, %add3A_121 : i32
      %dma_wait3A_123 = arith.constant 0 : i32
      %dma_wait3A_124 = tpu.memref_slice %arg9[%add3A_122, %dma_wait3A_123] : memref<125x80xi32, #tpu.memory_space<vmem>> -> memref<1x80xi32, #tpu.memory_space<vmem>>
      %dma_wait3A_125 = tpu.memref_squeeze %dma_wait3A_124 : memref<1x80xi32, #tpu.memory_space<vmem>> -> memref<80xi32, #tpu.memory_space<vmem>>
      %dma_wait3A_126 = arith.constant 0 : i32
      %dma_wait3A_127 = tpu.memref_slice %arg7[%dma_wait3A_126] : memref<10000xf32, #tpu.memory_space<vmem_shared>> -> memref<10000xf32, #tpu.memory_space<vmem_shared>>
      tpu.wait_indirect_dma semaphore(%arg12 : memref<!tpu.dma_semaphore, #tpu.memory_space<semaphore_mem>>) src(%arg11 : memref<80xf32, #tpu.memory_space<vmem>>) dst(%dma_wait3A_127 : memref<10000xf32, #tpu.memory_space<vmem_shared>>)
      %dma_wait3A_128 = arith.constant 0 : i32
      %dma_wait3A_129 = tpu.memref_slice %arg10[%add3A_122, %dma_wait3A_128] : memref<125x80xi32, #tpu.memory_space<vmem>> -> memref<1x80xi32, #tpu.memory_space<vmem>>
      %dma_wait3A_130 = tpu.memref_squeeze %dma_wait3A_129 : memref<1x80xi32, #tpu.memory_space<vmem>> -> memref<80xi32, #tpu.memory_space<vmem>>
      %dma_wait3A_131 = arith.constant 0 : i32
      %dma_wait3A_132 = tpu.memref_slice %arg8[%dma_wait3A_131] : memref<10000xf32, #tpu.memory_space<vmem_shared>> -> memref<10000xf32, #tpu.memory_space<vmem_shared>>
      tpu.wait_indirect_dma semaphore(%arg12 : memref<!tpu.dma_semaphore, #tpu.memory_space<semaphore_mem>>) src(%arg11 : memref<80xf32, #tpu.memory_space<vmem>>) dst(%dma_wait3A_132 : memref<10000xf32, #tpu.memory_space<vmem_shared>>)
      %mul3A_133 = arith.constant 4 : i32
      %mul3A_134 = arith.muli %mul3A_133, %scan3A_52 : i32
      %add3A_135 = arith.constant 2 : i32
      %add3A_136 = arith.addi %mul3A_134, %add3A_135 : i32
      %dma_wait3A_137 = arith.constant 0 : i32
      %dma_wait3A_138 = tpu.memref_slice %arg9[%add3A_136, %dma_wait3A_137] : memref<125x80xi32, #tpu.memory_space<vmem>> -> memref<1x80xi32, #tpu.memory_space<vmem>>
      %dma_wait3A_139 = tpu.memref_squeeze %dma_wait3A_138 : memref<1x80xi32, #tpu.memory_space<vmem>> -> memref<80xi32, #tpu.memory_space<vmem>>
      %dma_wait3A_140 = arith.constant 0 : i32
      %dma_wait3A_141 = tpu.memref_slice %arg7[%dma_wait3A_140] : memref<10000xf32, #tpu.memory_space<vmem_shared>> -> memref<10000xf32, #tpu.memory_space<vmem_shared>>
      tpu.wait_indirect_dma semaphore(%arg12 : memref<!tpu.dma_semaphore, #tpu.memory_space<semaphore_mem>>) src(%arg11 : memref<80xf32, #tpu.memory_space<vmem>>) dst(%dma_wait3A_141 : memref<10000xf32, #tpu.memory_space<vmem_shared>>)
      %dma_wait3A_142 = arith.constant 0 : i32
      %dma_wait3A_143 = tpu.memref_slice %arg10[%add3A_136, %dma_wait3A_142] : memref<125x80xi32, #tpu.memory_space<vmem>> -> memref<1x80xi32, #tpu.memory_space<vmem>>
      %dma_wait3A_144 = tpu.memref_squeeze %dma_wait3A_143 : memref<1x80xi32, #tpu.memory_space<vmem>> -> memref<80xi32, #tpu.memory_space<vmem>>
      %dma_wait3A_145 = arith.constant 0 : i32
      %dma_wait3A_146 = tpu.memref_slice %arg8[%dma_wait3A_145] : memref<10000xf32, #tpu.memory_space<vmem_shared>> -> memref<10000xf32, #tpu.memory_space<vmem_shared>>
      tpu.wait_indirect_dma semaphore(%arg12 : memref<!tpu.dma_semaphore, #tpu.memory_space<semaphore_mem>>) src(%arg11 : memref<80xf32, #tpu.memory_space<vmem>>) dst(%dma_wait3A_146 : memref<10000xf32, #tpu.memory_space<vmem_shared>>)
      %mul3A_147 = arith.constant 4 : i32
      %mul3A_148 = arith.muli %mul3A_147, %scan3A_52 : i32
      %add3A_149 = arith.constant 3 : i32
      %add3A_150 = arith.addi %mul3A_148, %add3A_149 : i32
      %dma_wait3A_151 = arith.constant 0 : i32
      %dma_wait3A_152 = tpu.memref_slice %arg9[%add3A_150, %dma_wait3A_151] : memref<125x80xi32, #tpu.memory_space<vmem>> -> memref<1x80xi32, #tpu.memory_space<vmem>>
      %dma_wait3A_153 = tpu.memref_squeeze %dma_wait3A_152 : memref<1x80xi32, #tpu.memory_space<vmem>> -> memref<80xi32, #tpu.memory_space<vmem>>
      %dma_wait3A_154 = arith.constant 0 : i32
      %dma_wait3A_155 = tpu.memref_slice %arg7[%dma_wait3A_154] : memref<10000xf32, #tpu.memory_space<vmem_shared>> -> memref<10000xf32, #tpu.memory_space<vmem_shared>>
      tpu.wait_indirect_dma semaphore(%arg12 : memref<!tpu.dma_semaphore, #tpu.memory_space<semaphore_mem>>) src(%arg11 : memref<80xf32, #tpu.memory_space<vmem>>) dst(%dma_wait3A_155 : memref<10000xf32, #tpu.memory_space<vmem_shared>>)
      %dma_wait3A_156 = arith.constant 0 : i32
      %dma_wait3A_157 = tpu.memref_slice %arg10[%add3A_150, %dma_wait3A_156] : memref<125x80xi32, #tpu.memory_space<vmem>> -> memref<1x80xi32, #tpu.memory_space<vmem>>
      %dma_wait3A_158 = tpu.memref_squeeze %dma_wait3A_157 : memref<1x80xi32, #tpu.memory_space<vmem>> -> memref<80xi32, #tpu.memory_space<vmem>>
      %dma_wait3A_159 = arith.constant 0 : i32
      %dma_wait3A_160 = tpu.memref_slice %arg8[%dma_wait3A_159] : memref<10000xf32, #tpu.memory_space<vmem_shared>> -> memref<10000xf32, #tpu.memory_space<vmem_shared>>
      tpu.wait_indirect_dma semaphore(%arg12 : memref<!tpu.dma_semaphore, #tpu.memory_space<semaphore_mem>>) src(%arg11 : memref<80xf32, #tpu.memory_space<vmem>>) dst(%dma_wait3A_160 : memref<10000xf32, #tpu.memory_space<vmem_shared>>)
    }
    %scan3A_39 = arith.constant 31 : i32
    %run_scoped3A = arith.constant 124 : i32
    "tpu.region"() ({
      %run_scoped3A_52 = tpu.sem_alloc : memref<!tpu.dma_semaphore, #tpu.memory_space<semaphore_mem>>
      %dma_start3A = arith.constant 0 : i32
      %dma_start3A_53 = tpu.memref_slice %arg9[%run_scoped3A, %dma_start3A] : memref<125x80xi32, #tpu.memory_space<vmem>> -> memref<1x80xi32, #tpu.memory_space<vmem>>
      %dma_start3A_54 = tpu.memref_squeeze %dma_start3A_53 : memref<1x80xi32, #tpu.memory_space<vmem>> -> memref<80xi32, #tpu.memory_space<vmem>>
      %dma_start3A_55 = arith.constant 0 : i32
      %dma_start3A_56 = tpu.memref_slice %arg7[%dma_start3A_55] : memref<10000xf32, #tpu.memory_space<vmem_shared>> -> memref<10000xf32, #tpu.memory_space<vmem_shared>>
      tpu.enqueue_indirect_dma source(%arg11 : memref<80xf32, #tpu.memory_space<vmem>>) target(%dma_start3A_56 : memref<10000xf32, #tpu.memory_space<vmem_shared>>) offsets(%dma_start3A_54 : memref<80xi32, #tpu.memory_space<vmem>>) semaphore(%run_scoped3A_52 : memref<!tpu.dma_semaphore, #tpu.memory_space<semaphore_mem>>) {add = true}
      %dma_wait3A = arith.constant 0 : i32
      %dma_wait3A_57 = tpu.memref_slice %arg9[%run_scoped3A, %dma_wait3A] : memref<125x80xi32, #tpu.memory_space<vmem>> -> memref<1x80xi32, #tpu.memory_space<vmem>>
      %dma_wait3A_58 = tpu.memref_squeeze %dma_wait3A_57 : memref<1x80xi32, #tpu.memory_space<vmem>> -> memref<80xi32, #tpu.memory_space<vmem>>
      %dma_wait3A_59 = arith.constant 0 : i32
      %dma_wait3A_60 = tpu.memref_slice %arg7[%dma_wait3A_59] : memref<10000xf32, #tpu.memory_space<vmem_shared>> -> memref<10000xf32, #tpu.memory_space<vmem_shared>>
      tpu.wait_indirect_dma semaphore(%run_scoped3A_52 : memref<!tpu.dma_semaphore, #tpu.memory_space<semaphore_mem>>) src(%arg11 : memref<80xf32, #tpu.memory_space<vmem>>) dst(%dma_wait3A_60 : memref<10000xf32, #tpu.memory_space<vmem_shared>>)
      tpu.yield
    }) : () -> ()
    %run_scoped3A_40 = arith.constant 124 : i32
    "tpu.region"() ({
      %run_scoped3A_52 = tpu.sem_alloc : memref<!tpu.dma_semaphore, #tpu.memory_space<semaphore_mem>>
      %dma_start3A = arith.constant 0 : i32
      %dma_start3A_53 = tpu.memref_slice %arg10[%run_scoped3A_40, %dma_start3A] : memref<125x80xi32, #tpu.memory_space<vmem>> -> memref<1x80xi32, #tpu.memory_space<vmem>>
      %dma_start3A_54 = tpu.memref_squeeze %dma_start3A_53 : memref<1x80xi32, #tpu.memory_space<vmem>> -> memref<80xi32, #tpu.memory_space<vmem>>
      %dma_start3A_55 = arith.constant 0 : i32
      %dma_start3A_56 = tpu.memref_slice %arg8[%dma_start3A_55] : memref<10000xf32, #tpu.memory_space<vmem_shared>> -> memref<10000xf32, #tpu.memory_space<vmem_shared>>
      tpu.enqueue_indirect_dma source(%arg11 : memref<80xf32, #tpu.memory_space<vmem>>) target(%dma_start3A_56 : memref<10000xf32, #tpu.memory_space<vmem_shared>>) offsets(%dma_start3A_54 : memref<80xi32, #tpu.memory_space<vmem>>) semaphore(%run_scoped3A_52 : memref<!tpu.dma_semaphore, #tpu.memory_space<semaphore_mem>>) {add = true}
      %dma_wait3A = arith.constant 0 : i32
      %dma_wait3A_57 = tpu.memref_slice %arg10[%run_scoped3A_40, %dma_wait3A] : memref<125x80xi32, #tpu.memory_space<vmem>> -> memref<1x80xi32, #tpu.memory_space<vmem>>
      %dma_wait3A_58 = tpu.memref_squeeze %dma_wait3A_57 : memref<1x80xi32, #tpu.memory_space<vmem>> -> memref<80xi32, #tpu.memory_space<vmem>>
      %dma_wait3A_59 = arith.constant 0 : i32
      %dma_wait3A_60 = tpu.memref_slice %arg8[%dma_wait3A_59] : memref<10000xf32, #tpu.memory_space<vmem_shared>> -> memref<10000xf32, #tpu.memory_space<vmem_shared>>
      tpu.wait_indirect_dma semaphore(%run_scoped3A_52 : memref<!tpu.dma_semaphore, #tpu.memory_space<semaphore_mem>>) src(%arg11 : memref<80xf32, #tpu.memory_space<vmem>>) dst(%dma_wait3A_60 : memref<10000xf32, #tpu.memory_space<vmem_shared>>)
      tpu.yield
    }) : () -> ()
    %barrier3A_41 = arith.constant 0 : index
    tpu.barrier barrier_id(%barrier3A_41)
    %eq3A_42 = arith.constant 0 : i32
    %eq3A_43 = arith.cmpi eq, %arg1, %eq3A_42 : i32
    %convert_element_type3A_44 = arith.extui %eq3A_43 : i1 to i32
    %cond3A_45 = arith.constant 0 : i32
    %cond3A_46 = arith.cmpi ne, %convert_element_type3A_44, %cond3A_45 : i32
    scf.if %cond3A_46 {
      "tpu.region"() ({
        %run_scoped3A_52 = tpu.sem_alloc : memref<!tpu.dma_semaphore, #tpu.memory_space<semaphore_mem>>
        %dma_start3A = arith.constant 0 : i32
        %dma_start3A_53 = tpu.memref_slice %arg5[%arg0, %dma_start3A] : memref<2x10000xf32, #tpu.memory_space<hbm>> -> memref<1x10000xf32, #tpu.memory_space<hbm>>
        %dma_start3A_54 = tpu.memref_squeeze %dma_start3A_53 : memref<1x10000xf32, #tpu.memory_space<hbm>> -> memref<10000xf32, #tpu.memory_space<hbm>>
        tpu.enqueue_dma source(%arg7 : memref<10000xf32, #tpu.memory_space<vmem_shared>>) target(%dma_start3A_54 : memref<10000xf32, #tpu.memory_space<hbm>>) target_semaphore(%run_scoped3A_52 : memref<!tpu.dma_semaphore, #tpu.memory_space<semaphore_mem>>)
        %dma_wait3A = arith.constant 0 : i32
        %dma_wait3A_55 = tpu.memref_slice %arg5[%arg0, %dma_wait3A] : memref<2x10000xf32, #tpu.memory_space<hbm>> -> memref<1x10000xf32, #tpu.memory_space<hbm>>
        %dma_wait3A_56 = tpu.memref_squeeze %dma_wait3A_55 : memref<1x10000xf32, #tpu.memory_space<hbm>> -> memref<10000xf32, #tpu.memory_space<hbm>>
        tpu.wait_dma2 semaphore(%run_scoped3A_52 : memref<!tpu.dma_semaphore, #tpu.memory_space<semaphore_mem>>) src(%arg7 : memref<10000xf32, #tpu.memory_space<vmem_shared>>) dst(%dma_wait3A_56 : memref<10000xf32, #tpu.memory_space<hbm>>)
        tpu.yield
      }) : () -> ()
    } else {
    }
    %eq3A_47 = arith.constant 1 : i32
    %eq3A_48 = arith.cmpi eq, %arg1, %eq3A_47 : i32
    %convert_element_type3A_49 = arith.extui %eq3A_48 : i1 to i32
    %cond3A_50 = arith.constant 0 : i32
    %cond3A_51 = arith.cmpi ne, %convert_element_type3A_49, %cond3A_50 : i32
    scf.if %cond3A_51 {
      "tpu.region"() ({
        %run_scoped3A_52 = tpu.sem_alloc : memref<!tpu.dma_semaphore, #tpu.memory_space<semaphore_mem>>
        %dma_start3A = arith.constant 0 : i32
        %dma_start3A_53 = tpu.memref_slice %arg6[%arg0, %dma_start3A] : memref<2x10000xf32, #tpu.memory_space<hbm>> -> memref<1x10000xf32, #tpu.memory_space<hbm>>
        %dma_start3A_54 = tpu.memref_squeeze %dma_start3A_53 : memref<1x10000xf32, #tpu.memory_space<hbm>> -> memref<10000xf32, #tpu.memory_space<hbm>>
        tpu.enqueue_dma source(%arg8 : memref<10000xf32, #tpu.memory_space<vmem_shared>>) target(%dma_start3A_54 : memref<10000xf32, #tpu.memory_space<hbm>>) target_semaphore(%run_scoped3A_52 : memref<!tpu.dma_semaphore, #tpu.memory_space<semaphore_mem>>)
        %dma_wait3A = arith.constant 0 : i32
        %dma_wait3A_55 = tpu.memref_slice %arg6[%arg0, %dma_wait3A] : memref<2x10000xf32, #tpu.memory_space<hbm>> -> memref<1x10000xf32, #tpu.memory_space<hbm>>
        %dma_wait3A_56 = tpu.memref_squeeze %dma_wait3A_55 : memref<1x10000xf32, #tpu.memory_space<hbm>> -> memref<10000xf32, #tpu.memory_space<hbm>>
        tpu.wait_dma2 semaphore(%run_scoped3A_52 : memref<!tpu.dma_semaphore, #tpu.memory_space<semaphore_mem>>) src(%arg8 : memref<10000xf32, #tpu.memory_space<vmem_shared>>) dst(%dma_wait3A_56 : memref<10000xf32, #tpu.memory_space<hbm>>)
        tpu.yield
      }) : () -> ()
    } else {
    }
    return
  }
}

#map = affine_map<(d0, d1) -> (0, 0)>
#map1 = affine_map<(d0, d1) -> (0, 0, 0, 0)>
#map2 = affine_map<(d0, d1) -> (0, 0, 0)>
module attributes {stable_mosaic.version = 14 : i64} {
  func.func @_agg_body(%arg0: i32, %arg1: i32, %arg2: memref<10000x128xf32, #tpu.memory_space<hbm>>, %arg3: memref<2x16x125x80xi32, #tpu.memory_space<hbm>>, %arg4: memref<2x16x125x80xi32, #tpu.memory_space<hbm>>, %arg5: memref<128x128xf32, #tpu.memory_space<hbm>>, %arg6: memref<2x10000x128xf32, #tpu.memory_space<hbm>>, %arg7: memref<10000x128xf32, #tpu.memory_space<vmem_shared>>, %arg8: memref<125x80xi32, #tpu.memory_space<vmem>>, %arg9: memref<64x80xi32, #tpu.memory_space<vmem>>, %arg10: memref<80x128xf32, #tpu.memory_space<vmem>>, %arg11: memref<80x128xf32, #tpu.memory_space<vmem>>, %arg12: memref<!tpu.dma_semaphore, #tpu.memory_space<semaphore_mem>>, %arg13: memref<!tpu.dma_semaphore, #tpu.memory_space<semaphore_mem>>) attributes {dimension_semantics = [#tpu.dimension_semantics<core_parallel>, #tpu.dimension_semantics<subcore_parallel>], iteration_bounds = array<i64: 2, 16>, scalar_prefetch = 0 : i64, scratch_operands = 7 : i64, tpu.core_type = #tpu.core_type<sc_vector_subcore>, window_params = [{transform_indices = #map}, {transform_indices = #map1}, {transform_indices = #map1}, {transform_indices = #map}, {transform_indices = #map2}]} {
    %lt3A = arith.constant 14 : i32
    %lt3A_0 = arith.cmpi slt, %arg1, %lt3A : i32
    %mul3A = arith.constant 632 : i32
    %mul3A_1 = arith.muli %arg1, %mul3A : i32
    %sub3A = arith.constant 14 : i32
    %sub3A_2 = arith.subi %arg1, %sub3A : i32
    %mul3A_3 = arith.constant 576 : i32
    %mul3A_4 = arith.muli %sub3A_2, %mul3A_3 : i32
    %add3A = arith.constant 8848 : i32
    %add3A_5 = arith.addi %add3A, %mul3A_4 : i32
    %select_n3A = arith.select %lt3A_0, %mul3A_1, %add3A_5 : i32
    %add3A_6 = arith.constant 0 : i32
    %add3A_7 = arith.addi %select_n3A, %add3A_6 : i32
    %dma_start3A = arith.constant 0 : i32
    %dma_start3A_8 = tpu.memref_slice %arg7[%add3A_7, %dma_start3A] : memref<10000x128xf32, #tpu.memory_space<vmem_shared>> -> memref<128x128xf32, #tpu.memory_space<vmem_shared>>
    tpu.enqueue_dma source(%arg5 : memref<128x128xf32, #tpu.memory_space<hbm>>) target(%dma_start3A_8 : memref<128x128xf32, #tpu.memory_space<vmem_shared>>) target_semaphore(%arg12 : memref<!tpu.dma_semaphore, #tpu.memory_space<semaphore_mem>>)
    %add3A_9 = arith.constant 128 : i32
    %add3A_10 = arith.addi %select_n3A, %add3A_9 : i32
    %dma_start3A_11 = arith.constant 0 : i32
    %dma_start3A_12 = tpu.memref_slice %arg7[%add3A_10, %dma_start3A_11] : memref<10000x128xf32, #tpu.memory_space<vmem_shared>> -> memref<128x128xf32, #tpu.memory_space<vmem_shared>>
    tpu.enqueue_dma source(%arg5 : memref<128x128xf32, #tpu.memory_space<hbm>>) target(%dma_start3A_12 : memref<128x128xf32, #tpu.memory_space<vmem_shared>>) target_semaphore(%arg12 : memref<!tpu.dma_semaphore, #tpu.memory_space<semaphore_mem>>)
    %add3A_13 = arith.constant 256 : i32
    %add3A_14 = arith.addi %select_n3A, %add3A_13 : i32
    %dma_start3A_15 = arith.constant 0 : i32
    %dma_start3A_16 = tpu.memref_slice %arg7[%add3A_14, %dma_start3A_15] : memref<10000x128xf32, #tpu.memory_space<vmem_shared>> -> memref<128x128xf32, #tpu.memory_space<vmem_shared>>
    tpu.enqueue_dma source(%arg5 : memref<128x128xf32, #tpu.memory_space<hbm>>) target(%dma_start3A_16 : memref<128x128xf32, #tpu.memory_space<vmem_shared>>) target_semaphore(%arg12 : memref<!tpu.dma_semaphore, #tpu.memory_space<semaphore_mem>>)
    %add3A_17 = arith.constant 384 : i32
    %add3A_18 = arith.addi %select_n3A, %add3A_17 : i32
    %dma_start3A_19 = arith.constant 0 : i32
    %dma_start3A_20 = tpu.memref_slice %arg7[%add3A_18, %dma_start3A_19] : memref<10000x128xf32, #tpu.memory_space<vmem_shared>> -> memref<128x128xf32, #tpu.memory_space<vmem_shared>>
    tpu.enqueue_dma source(%arg5 : memref<128x128xf32, #tpu.memory_space<hbm>>) target(%dma_start3A_20 : memref<128x128xf32, #tpu.memory_space<vmem_shared>>) target_semaphore(%arg12 : memref<!tpu.dma_semaphore, #tpu.memory_space<semaphore_mem>>)
    %lt3A_21 = arith.constant 14 : i32
    %lt3A_22 = arith.cmpi slt, %arg1, %lt3A_21 : i32
    %convert_element_type3A = arith.extui %lt3A_22 : i1 to i32
    %cond3A = arith.constant 0 : i32
    %cond3A_23 = arith.cmpi ne, %convert_element_type3A, %cond3A : i32
    scf.if %cond3A_23 {
      %add3A_136 = arith.constant 512 : i32
      %add3A_137 = arith.addi %select_n3A, %add3A_136 : i32
      %dma_start3A_138 = arith.constant 0 : i32
      %dma_start3A_139 = tpu.memref_slice %arg7[%add3A_137, %dma_start3A_138] : memref<10000x128xf32, #tpu.memory_space<vmem_shared>> -> memref<120x128xf32, #tpu.memory_space<vmem_shared>>
      %dma_start3A_140 = arith.constant 0 : i32
      %dma_start3A_141 = arith.constant 0 : i32
      %dma_start3A_142 = tpu.memref_slice %arg5[%dma_start3A_140, %dma_start3A_141] : memref<128x128xf32, #tpu.memory_space<hbm>> -> memref<120x128xf32, #tpu.memory_space<hbm>>
      tpu.enqueue_dma source(%dma_start3A_142 : memref<120x128xf32, #tpu.memory_space<hbm>>) target(%dma_start3A_139 : memref<120x128xf32, #tpu.memory_space<vmem_shared>>) target_semaphore(%arg12 : memref<!tpu.dma_semaphore, #tpu.memory_space<semaphore_mem>>)
    } else {
    }
    %ge3A = arith.constant 14 : i32
    %ge3A_24 = arith.cmpi sge, %arg1, %ge3A : i32
    %convert_element_type3A_25 = arith.extui %ge3A_24 : i1 to i32
    %cond3A_26 = arith.constant 0 : i32
    %cond3A_27 = arith.cmpi ne, %convert_element_type3A_25, %cond3A_26 : i32
    scf.if %cond3A_27 {
      %add3A_136 = arith.constant 512 : i32
      %add3A_137 = arith.addi %select_n3A, %add3A_136 : i32
      %dma_start3A_138 = arith.constant 0 : i32
      %dma_start3A_139 = tpu.memref_slice %arg7[%add3A_137, %dma_start3A_138] : memref<10000x128xf32, #tpu.memory_space<vmem_shared>> -> memref<64x128xf32, #tpu.memory_space<vmem_shared>>
      %dma_start3A_140 = arith.constant 0 : i32
      %dma_start3A_141 = arith.constant 0 : i32
      %dma_start3A_142 = tpu.memref_slice %arg5[%dma_start3A_140, %dma_start3A_141] : memref<128x128xf32, #tpu.memory_space<hbm>> -> memref<64x128xf32, #tpu.memory_space<hbm>>
      tpu.enqueue_dma source(%dma_start3A_142 : memref<64x128xf32, #tpu.memory_space<hbm>>) target(%dma_start3A_139 : memref<64x128xf32, #tpu.memory_space<vmem_shared>>) target_semaphore(%arg12 : memref<!tpu.dma_semaphore, #tpu.memory_space<semaphore_mem>>)
    } else {
    }
    %dma_start3A_28 = arith.constant 0 : i32
    %dma_start3A_29 = arith.constant 0 : i32
    %dma_start3A_30 = tpu.memref_slice %arg3[%arg0, %arg1, %dma_start3A_28, %dma_start3A_29] : memref<2x16x125x80xi32, #tpu.memory_space<hbm>> -> memref<1x1x125x80xi32, #tpu.memory_space<hbm>>
    %dma_start3A_31 = tpu.memref_squeeze %dma_start3A_30 : memref<1x1x125x80xi32, #tpu.memory_space<hbm>> -> memref<125x80xi32, #tpu.memory_space<hbm>>
    %dma_start3A_32 = arith.constant 0 : i32
    %dma_start3A_33 = arith.constant 0 : i32
    %dma_start3A_34 = tpu.memref_slice %arg3[%arg0, %arg1, %dma_start3A_32, %dma_start3A_33] : memref<2x16x125x80xi32, #tpu.memory_space<hbm>> -> memref<1x1x125x80xi32, #tpu.memory_space<hbm>>
    %dma_start3A_35 = tpu.memref_squeeze %dma_start3A_34 : memref<1x1x125x80xi32, #tpu.memory_space<hbm>> -> memref<125x80xi32, #tpu.memory_space<hbm>>
    tpu.enqueue_dma source(%dma_start3A_35 : memref<125x80xi32, #tpu.memory_space<hbm>>) target(%arg8 : memref<125x80xi32, #tpu.memory_space<vmem>>) target_semaphore(%arg12 : memref<!tpu.dma_semaphore, #tpu.memory_space<semaphore_mem>>)
    %dma_start3A_36 = arith.constant 0 : i32
    %dma_start3A_37 = arith.constant 0 : i32
    %dma_start3A_38 = tpu.memref_slice %arg4[%arg0, %arg1, %dma_start3A_36, %dma_start3A_37] : memref<2x16x125x80xi32, #tpu.memory_space<hbm>> -> memref<1x1x64x80xi32, #tpu.memory_space<hbm>>
    %dma_start3A_39 = tpu.memref_squeeze %dma_start3A_38 : memref<1x1x64x80xi32, #tpu.memory_space<hbm>> -> memref<64x80xi32, #tpu.memory_space<hbm>>
    %dma_start3A_40 = arith.constant 0 : i32
    %dma_start3A_41 = arith.constant 0 : i32
    %dma_start3A_42 = tpu.memref_slice %arg4[%arg0, %arg1, %dma_start3A_40, %dma_start3A_41] : memref<2x16x125x80xi32, #tpu.memory_space<hbm>> -> memref<1x1x64x80xi32, #tpu.memory_space<hbm>>
    %dma_start3A_43 = tpu.memref_squeeze %dma_start3A_42 : memref<1x1x64x80xi32, #tpu.memory_space<hbm>> -> memref<64x80xi32, #tpu.memory_space<hbm>>
    tpu.enqueue_dma source(%dma_start3A_43 : memref<64x80xi32, #tpu.memory_space<hbm>>) target(%arg9 : memref<64x80xi32, #tpu.memory_space<vmem>>) target_semaphore(%arg12 : memref<!tpu.dma_semaphore, #tpu.memory_space<semaphore_mem>>)
    %add3A_44 = arith.constant 0 : i32
    %add3A_45 = arith.addi %select_n3A, %add3A_44 : i32
    %dma_wait3A = arith.constant 0 : i32
    %dma_wait3A_46 = tpu.memref_slice %arg7[%add3A_45, %dma_wait3A] : memref<10000x128xf32, #tpu.memory_space<vmem_shared>> -> memref<128x128xf32, #tpu.memory_space<vmem_shared>>
    tpu.wait_dma2 semaphore(%arg12 : memref<!tpu.dma_semaphore, #tpu.memory_space<semaphore_mem>>) src(%arg5 : memref<128x128xf32, #tpu.memory_space<hbm>>) dst(%dma_wait3A_46 : memref<128x128xf32, #tpu.memory_space<vmem_shared>>)
    %add3A_47 = arith.constant 128 : i32
    %add3A_48 = arith.addi %select_n3A, %add3A_47 : i32
    %dma_wait3A_49 = arith.constant 0 : i32
    %dma_wait3A_50 = tpu.memref_slice %arg7[%add3A_48, %dma_wait3A_49] : memref<10000x128xf32, #tpu.memory_space<vmem_shared>> -> memref<128x128xf32, #tpu.memory_space<vmem_shared>>
    tpu.wait_dma2 semaphore(%arg12 : memref<!tpu.dma_semaphore, #tpu.memory_space<semaphore_mem>>) src(%arg5 : memref<128x128xf32, #tpu.memory_space<hbm>>) dst(%dma_wait3A_50 : memref<128x128xf32, #tpu.memory_space<vmem_shared>>)
    %add3A_51 = arith.constant 256 : i32
    %add3A_52 = arith.addi %select_n3A, %add3A_51 : i32
    %dma_wait3A_53 = arith.constant 0 : i32
    %dma_wait3A_54 = tpu.memref_slice %arg7[%add3A_52, %dma_wait3A_53] : memref<10000x128xf32, #tpu.memory_space<vmem_shared>> -> memref<128x128xf32, #tpu.memory_space<vmem_shared>>
    tpu.wait_dma2 semaphore(%arg12 : memref<!tpu.dma_semaphore, #tpu.memory_space<semaphore_mem>>) src(%arg5 : memref<128x128xf32, #tpu.memory_space<hbm>>) dst(%dma_wait3A_54 : memref<128x128xf32, #tpu.memory_space<vmem_shared>>)
    %add3A_55 = arith.constant 384 : i32
    %add3A_56 = arith.addi %select_n3A, %add3A_55 : i32
    %dma_wait3A_57 = arith.constant 0 : i32
    %dma_wait3A_58 = tpu.memref_slice %arg7[%add3A_56, %dma_wait3A_57] : memref<10000x128xf32, #tpu.memory_space<vmem_shared>> -> memref<128x128xf32, #tpu.memory_space<vmem_shared>>
    tpu.wait_dma2 semaphore(%arg12 : memref<!tpu.dma_semaphore, #tpu.memory_space<semaphore_mem>>) src(%arg5 : memref<128x128xf32, #tpu.memory_space<hbm>>) dst(%dma_wait3A_58 : memref<128x128xf32, #tpu.memory_space<vmem_shared>>)
    %lt3A_59 = arith.constant 14 : i32
    %lt3A_60 = arith.cmpi slt, %arg1, %lt3A_59 : i32
    %convert_element_type3A_61 = arith.extui %lt3A_60 : i1 to i32
    %cond3A_62 = arith.constant 0 : i32
    %cond3A_63 = arith.cmpi ne, %convert_element_type3A_61, %cond3A_62 : i32
    scf.if %cond3A_63 {
      %add3A_136 = arith.constant 512 : i32
      %add3A_137 = arith.addi %select_n3A, %add3A_136 : i32
      %dma_wait3A_138 = arith.constant 0 : i32
      %dma_wait3A_139 = tpu.memref_slice %arg7[%add3A_137, %dma_wait3A_138] : memref<10000x128xf32, #tpu.memory_space<vmem_shared>> -> memref<120x128xf32, #tpu.memory_space<vmem_shared>>
      %dma_wait3A_140 = arith.constant 0 : i32
      %dma_wait3A_141 = arith.constant 0 : i32
      %dma_wait3A_142 = tpu.memref_slice %arg5[%dma_wait3A_140, %dma_wait3A_141] : memref<128x128xf32, #tpu.memory_space<hbm>> -> memref<120x128xf32, #tpu.memory_space<hbm>>
      tpu.wait_dma2 semaphore(%arg12 : memref<!tpu.dma_semaphore, #tpu.memory_space<semaphore_mem>>) src(%dma_wait3A_142 : memref<120x128xf32, #tpu.memory_space<hbm>>) dst(%dma_wait3A_139 : memref<120x128xf32, #tpu.memory_space<vmem_shared>>)
    } else {
    }
    %ge3A_64 = arith.constant 14 : i32
    %ge3A_65 = arith.cmpi sge, %arg1, %ge3A_64 : i32
    %convert_element_type3A_66 = arith.extui %ge3A_65 : i1 to i32
    %cond3A_67 = arith.constant 0 : i32
    %cond3A_68 = arith.cmpi ne, %convert_element_type3A_66, %cond3A_67 : i32
    scf.if %cond3A_68 {
      %add3A_136 = arith.constant 512 : i32
      %add3A_137 = arith.addi %select_n3A, %add3A_136 : i32
      %dma_wait3A_138 = arith.constant 0 : i32
      %dma_wait3A_139 = tpu.memref_slice %arg7[%add3A_137, %dma_wait3A_138] : memref<10000x128xf32, #tpu.memory_space<vmem_shared>> -> memref<64x128xf32, #tpu.memory_space<vmem_shared>>
      %dma_wait3A_140 = arith.constant 0 : i32
      %dma_wait3A_141 = arith.constant 0 : i32
      %dma_wait3A_142 = tpu.memref_slice %arg5[%dma_wait3A_140, %dma_wait3A_141] : memref<128x128xf32, #tpu.memory_space<hbm>> -> memref<64x128xf32, #tpu.memory_space<hbm>>
      tpu.wait_dma2 semaphore(%arg12 : memref<!tpu.dma_semaphore, #tpu.memory_space<semaphore_mem>>) src(%dma_wait3A_142 : memref<64x128xf32, #tpu.memory_space<hbm>>) dst(%dma_wait3A_139 : memref<64x128xf32, #tpu.memory_space<vmem_shared>>)
    } else {
    }
    %dma_wait3A_69 = arith.constant 0 : i32
    %dma_wait3A_70 = arith.constant 0 : i32
    %dma_wait3A_71 = tpu.memref_slice %arg3[%arg0, %arg1, %dma_wait3A_69, %dma_wait3A_70] : memref<2x16x125x80xi32, #tpu.memory_space<hbm>> -> memref<1x1x125x80xi32, #tpu.memory_space<hbm>>
    %dma_wait3A_72 = tpu.memref_squeeze %dma_wait3A_71 : memref<1x1x125x80xi32, #tpu.memory_space<hbm>> -> memref<125x80xi32, #tpu.memory_space<hbm>>
    %dma_wait3A_73 = arith.constant 0 : i32
    %dma_wait3A_74 = arith.constant 0 : i32
    %dma_wait3A_75 = tpu.memref_slice %arg3[%arg0, %arg1, %dma_wait3A_73, %dma_wait3A_74] : memref<2x16x125x80xi32, #tpu.memory_space<hbm>> -> memref<1x1x125x80xi32, #tpu.memory_space<hbm>>
    %dma_wait3A_76 = tpu.memref_squeeze %dma_wait3A_75 : memref<1x1x125x80xi32, #tpu.memory_space<hbm>> -> memref<125x80xi32, #tpu.memory_space<hbm>>
    tpu.wait_dma2 semaphore(%arg12 : memref<!tpu.dma_semaphore, #tpu.memory_space<semaphore_mem>>) src(%dma_wait3A_76 : memref<125x80xi32, #tpu.memory_space<hbm>>) dst(%arg8 : memref<125x80xi32, #tpu.memory_space<vmem>>)
    %dma_wait3A_77 = arith.constant 0 : i32
    %dma_wait3A_78 = arith.constant 0 : i32
    %dma_wait3A_79 = tpu.memref_slice %arg4[%arg0, %arg1, %dma_wait3A_77, %dma_wait3A_78] : memref<2x16x125x80xi32, #tpu.memory_space<hbm>> -> memref<1x1x64x80xi32, #tpu.memory_space<hbm>>
    %dma_wait3A_80 = tpu.memref_squeeze %dma_wait3A_79 : memref<1x1x64x80xi32, #tpu.memory_space<hbm>> -> memref<64x80xi32, #tpu.memory_space<hbm>>
    %dma_wait3A_81 = arith.constant 0 : i32
    %dma_wait3A_82 = arith.constant 0 : i32
    %dma_wait3A_83 = tpu.memref_slice %arg4[%arg0, %arg1, %dma_wait3A_81, %dma_wait3A_82] : memref<2x16x125x80xi32, #tpu.memory_space<hbm>> -> memref<1x1x64x80xi32, #tpu.memory_space<hbm>>
    %dma_wait3A_84 = tpu.memref_squeeze %dma_wait3A_83 : memref<1x1x64x80xi32, #tpu.memory_space<hbm>> -> memref<64x80xi32, #tpu.memory_space<hbm>>
    tpu.wait_dma2 semaphore(%arg12 : memref<!tpu.dma_semaphore, #tpu.memory_space<semaphore_mem>>) src(%dma_wait3A_84 : memref<64x80xi32, #tpu.memory_space<hbm>>) dst(%arg9 : memref<64x80xi32, #tpu.memory_space<vmem>>)
    %barrier3A = arith.constant 0 : index
    tpu.barrier barrier_id(%barrier3A)
    %dma_start3A_85 = arith.constant 0 : i32
    %dma_start3A_86 = arith.constant 0 : i32
    %dma_start3A_87 = tpu.memref_slice %arg8[%dma_start3A_85, %dma_start3A_86] : memref<125x80xi32, #tpu.memory_space<vmem>> -> memref<1x80xi32, #tpu.memory_space<vmem>>
    %dma_start3A_88 = tpu.memref_squeeze %dma_start3A_87 : memref<1x80xi32, #tpu.memory_space<vmem>> -> memref<80xi32, #tpu.memory_space<vmem>>
    %dma_start3A_89 = arith.constant 0 : i32
    %dma_start3A_90 = arith.constant 0 : i32
    %dma_start3A_91 = tpu.memref_slice %arg2[%dma_start3A_89, %dma_start3A_90] : memref<10000x128xf32, #tpu.memory_space<hbm>> -> memref<10000x128xf32, #tpu.memory_space<hbm>>
    tpu.enqueue_indirect_dma source(%dma_start3A_91 : memref<10000x128xf32, #tpu.memory_space<hbm>>) target(%arg10 : memref<80x128xf32, #tpu.memory_space<vmem>>) offsets(%dma_start3A_88 : memref<80xi32, #tpu.memory_space<vmem>>) semaphore(%arg12 : memref<!tpu.dma_semaphore, #tpu.memory_space<semaphore_mem>>)
    %scan3A = arith.constant 0 : i32
    %scan3A_92 = arith.constant 0 : i32
    %scan3A_93 = arith.constant 62 : i32
    %scan3A_94 = arith.addi %scan3A_92, %scan3A_93 : i32
    %scan3A_95 = arith.constant 1 : i32
    scf.for %scan3A_136 = %scan3A_92 to %scan3A_94 step %scan3A_95  : i32 {
      %mul3A_137 = arith.constant 2 : i32
      %mul3A_138 = arith.muli %mul3A_137, %scan3A_136 : i32
      %add3A_139 = arith.constant 1 : i32
      %add3A_140 = arith.addi %mul3A_138, %add3A_139 : i32
      %eq3A = arith.constant 64 : i32
      %eq3A_141 = arith.cmpi eq, %mul3A_138, %eq3A : i32
      %convert_element_type3A_142 = arith.extui %eq3A_141 : i1 to i32
      %cond3A_143 = arith.constant 0 : i32
      %cond3A_144 = arith.cmpi ne, %convert_element_type3A_142, %cond3A_143 : i32
      scf.if %cond3A_144 {
        "tpu.region"() ({
          %run_scoped3A = tpu.sem_alloc : memref<!tpu.dma_semaphore, #tpu.memory_space<semaphore_mem>>
          %dma_start3A_205 = arith.constant 0 : i32
          %dma_start3A_206 = arith.constant 0 : i32
          %dma_start3A_207 = tpu.memref_slice %arg9[%dma_start3A_205, %dma_start3A_206] : memref<64x80xi32, #tpu.memory_space<vmem>> -> memref<61x80xi32, #tpu.memory_space<vmem>>
          %dma_start3A_208 = arith.constant 64 : i32
          %dma_start3A_209 = arith.constant 0 : i32
          %dma_start3A_210 = tpu.memref_slice %arg4[%arg0, %arg1, %dma_start3A_208, %dma_start3A_209] : memref<2x16x125x80xi32, #tpu.memory_space<hbm>> -> memref<1x1x61x80xi32, #tpu.memory_space<hbm>>
          %dma_start3A_211 = tpu.memref_squeeze %dma_start3A_210 : memref<1x1x61x80xi32, #tpu.memory_space<hbm>> -> memref<61x80xi32, #tpu.memory_space<hbm>>
          %dma_start3A_212 = arith.constant 0 : i32
          %dma_start3A_213 = arith.constant 0 : i32
          %dma_start3A_214 = tpu.memref_slice %arg9[%dma_start3A_212, %dma_start3A_213] : memref<64x80xi32, #tpu.memory_space<vmem>> -> memref<61x80xi32, #tpu.memory_space<vmem>>
          %dma_start3A_215 = arith.constant 64 : i32
          %dma_start3A_216 = arith.constant 0 : i32
          %dma_start3A_217 = tpu.memref_slice %arg4[%arg0, %arg1, %dma_start3A_215, %dma_start3A_216] : memref<2x16x125x80xi32, #tpu.memory_space<hbm>> -> memref<1x1x61x80xi32, #tpu.memory_space<hbm>>
          %dma_start3A_218 = tpu.memref_squeeze %dma_start3A_217 : memref<1x1x61x80xi32, #tpu.memory_space<hbm>> -> memref<61x80xi32, #tpu.memory_space<hbm>>
          tpu.enqueue_dma source(%dma_start3A_218 : memref<61x80xi32, #tpu.memory_space<hbm>>) target(%dma_start3A_214 : memref<61x80xi32, #tpu.memory_space<vmem>>) target_semaphore(%run_scoped3A : memref<!tpu.dma_semaphore, #tpu.memory_space<semaphore_mem>>)
          %dma_wait3A_219 = arith.constant 0 : i32
          %dma_wait3A_220 = arith.constant 0 : i32
          %dma_wait3A_221 = tpu.memref_slice %arg9[%dma_wait3A_219, %dma_wait3A_220] : memref<64x80xi32, #tpu.memory_space<vmem>> -> memref<61x80xi32, #tpu.memory_space<vmem>>
          %dma_wait3A_222 = arith.constant 64 : i32
          %dma_wait3A_223 = arith.constant 0 : i32
          %dma_wait3A_224 = tpu.memref_slice %arg4[%arg0, %arg1, %dma_wait3A_222, %dma_wait3A_223] : memref<2x16x125x80xi32, #tpu.memory_space<hbm>> -> memref<1x1x61x80xi32, #tpu.memory_space<hbm>>
          %dma_wait3A_225 = tpu.memref_squeeze %dma_wait3A_224 : memref<1x1x61x80xi32, #tpu.memory_space<hbm>> -> memref<61x80xi32, #tpu.memory_space<hbm>>
          %dma_wait3A_226 = arith.constant 0 : i32
          %dma_wait3A_227 = arith.constant 0 : i32
          %dma_wait3A_228 = tpu.memref_slice %arg9[%dma_wait3A_226, %dma_wait3A_227] : memref<64x80xi32, #tpu.memory_space<vmem>> -> memref<61x80xi32, #tpu.memory_space<vmem>>
          %dma_wait3A_229 = arith.constant 64 : i32
          %dma_wait3A_230 = arith.constant 0 : i32
          %dma_wait3A_231 = tpu.memref_slice %arg4[%arg0, %arg1, %dma_wait3A_229, %dma_wait3A_230] : memref<2x16x125x80xi32, #tpu.memory_space<hbm>> -> memref<1x1x61x80xi32, #tpu.memory_space<hbm>>
          %dma_wait3A_232 = tpu.memref_squeeze %dma_wait3A_231 : memref<1x1x61x80xi32, #tpu.memory_space<hbm>> -> memref<61x80xi32, #tpu.memory_space<hbm>>
          tpu.wait_dma2 semaphore(%run_scoped3A : memref<!tpu.dma_semaphore, #tpu.memory_space<semaphore_mem>>) src(%dma_wait3A_232 : memref<61x80xi32, #tpu.memory_space<hbm>>) dst(%dma_wait3A_228 : memref<61x80xi32, #tpu.memory_space<vmem>>)
          tpu.yield
        }) : () -> ()
      } else {
      }
      %ge3A_145 = arith.constant 64 : i32
      %ge3A_146 = arith.cmpi sge, %mul3A_138, %ge3A_145 : i32
      %sub3A_147 = arith.constant 64 : i32
      %sub3A_148 = arith.subi %mul3A_138, %sub3A_147 : i32
      %select_n3A_149 = arith.select %ge3A_146, %sub3A_148, %mul3A_138 : i32
      %add3A_150 = arith.constant 1 : i32
      %add3A_151 = arith.addi %select_n3A_149, %add3A_150 : i32
      %eq3A_152 = arith.constant 64 : i32
      %eq3A_153 = arith.cmpi eq, %mul3A_138, %eq3A_152 : i32
      %sub3A_154 = arith.constant 1 : i32
      %sub3A_155 = arith.subi %select_n3A_149, %sub3A_154 : i32
      %jit3A = arith.constant 63 : i32
      %select_n3A_156 = arith.select %eq3A_153, %jit3A, %sub3A_155 : i32
      %dma_wait3A_157 = arith.constant 0 : i32
      %dma_wait3A_158 = tpu.memref_slice %arg8[%mul3A_138, %dma_wait3A_157] : memref<125x80xi32, #tpu.memory_space<vmem>> -> memref<1x80xi32, #tpu.memory_space<vmem>>
      %dma_wait3A_159 = tpu.memref_squeeze %dma_wait3A_158 : memref<1x80xi32, #tpu.memory_space<vmem>> -> memref<80xi32, #tpu.memory_space<vmem>>
      %dma_wait3A_160 = arith.constant 0 : i32
      %dma_wait3A_161 = arith.constant 0 : i32
      %dma_wait3A_162 = tpu.memref_slice %arg2[%dma_wait3A_160, %dma_wait3A_161] : memref<10000x128xf32, #tpu.memory_space<hbm>> -> memref<10000x128xf32, #tpu.memory_space<hbm>>
      tpu.wait_indirect_dma semaphore(%arg12 : memref<!tpu.dma_semaphore, #tpu.memory_space<semaphore_mem>>) src(%dma_wait3A_162 : memref<10000x128xf32, #tpu.memory_space<hbm>>) dst(%arg10 : memref<80x128xf32, #tpu.memory_space<vmem>>)
      %gt3A = arith.constant 0 : i32
      %gt3A_163 = arith.cmpi sgt, %scan3A_136, %gt3A : i32
      %convert_element_type3A_164 = arith.extui %gt3A_163 : i1 to i32
      %cond3A_165 = arith.constant 0 : i32
      %cond3A_166 = arith.cmpi ne, %convert_element_type3A_164, %cond3A_165 : i32
      scf.if %cond3A_166 {
        %dma_wait3A_205 = arith.constant 0 : i32
        %dma_wait3A_206 = tpu.memref_slice %arg9[%select_n3A_156, %dma_wait3A_205] : memref<64x80xi32, #tpu.memory_space<vmem>> -> memref<1x80xi32, #tpu.memory_space<vmem>>
        %dma_wait3A_207 = tpu.memref_squeeze %dma_wait3A_206 : memref<1x80xi32, #tpu.memory_space<vmem>> -> memref<80xi32, #tpu.memory_space<vmem>>
        %dma_wait3A_208 = arith.constant 0 : i32
        %dma_wait3A_209 = arith.constant 0 : i32
        %dma_wait3A_210 = tpu.memref_slice %arg7[%dma_wait3A_208, %dma_wait3A_209] : memref<10000x128xf32, #tpu.memory_space<vmem_shared>> -> memref<10000x128xf32, #tpu.memory_space<vmem_shared>>
        tpu.wait_indirect_dma semaphore(%arg13 : memref<!tpu.dma_semaphore, #tpu.memory_space<semaphore_mem>>) src(%arg11 : memref<80x128xf32, #tpu.memory_space<vmem>>) dst(%dma_wait3A_210 : memref<10000x128xf32, #tpu.memory_space<vmem_shared>>)
      } else {
      }
      %dma_start3A_167 = arith.constant 0 : i32
      %dma_start3A_168 = tpu.memref_slice %arg9[%select_n3A_149, %dma_start3A_167] : memref<64x80xi32, #tpu.memory_space<vmem>> -> memref<1x80xi32, #tpu.memory_space<vmem>>
      %dma_start3A_169 = tpu.memref_squeeze %dma_start3A_168 : memref<1x80xi32, #tpu.memory_space<vmem>> -> memref<80xi32, #tpu.memory_space<vmem>>
      %dma_start3A_170 = arith.constant 0 : i32
      %dma_start3A_171 = arith.constant 0 : i32
      %dma_start3A_172 = tpu.memref_slice %arg7[%dma_start3A_170, %dma_start3A_171] : memref<10000x128xf32, #tpu.memory_space<vmem_shared>> -> memref<10000x128xf32, #tpu.memory_space<vmem_shared>>
      tpu.enqueue_indirect_dma source(%arg10 : memref<80x128xf32, #tpu.memory_space<vmem>>) target(%dma_start3A_172 : memref<10000x128xf32, #tpu.memory_space<vmem_shared>>) offsets(%dma_start3A_169 : memref<80xi32, #tpu.memory_space<vmem>>) semaphore(%arg13 : memref<!tpu.dma_semaphore, #tpu.memory_space<semaphore_mem>>) {add = true}
      %dma_start3A_173 = arith.constant 0 : i32
      %dma_start3A_174 = tpu.memref_slice %arg8[%add3A_140, %dma_start3A_173] : memref<125x80xi32, #tpu.memory_space<vmem>> -> memref<1x80xi32, #tpu.memory_space<vmem>>
      %dma_start3A_175 = tpu.memref_squeeze %dma_start3A_174 : memref<1x80xi32, #tpu.memory_space<vmem>> -> memref<80xi32, #tpu.memory_space<vmem>>
      %dma_start3A_176 = arith.constant 0 : i32
      %dma_start3A_177 = arith.constant 0 : i32
      %dma_start3A_178 = tpu.memref_slice %arg2[%dma_start3A_176, %dma_start3A_177] : memref<10000x128xf32, #tpu.memory_space<hbm>> -> memref<10000x128xf32, #tpu.memory_space<hbm>>
      tpu.enqueue_indirect_dma source(%dma_start3A_178 : memref<10000x128xf32, #tpu.memory_space<hbm>>) target(%arg11 : memref<80x128xf32, #tpu.memory_space<vmem>>) offsets(%dma_start3A_175 : memref<80xi32, #tpu.memory_space<vmem>>) semaphore(%arg12 : memref<!tpu.dma_semaphore, #tpu.memory_space<semaphore_mem>>)
      %dma_wait3A_179 = arith.constant 0 : i32
      %dma_wait3A_180 = tpu.memref_slice %arg8[%add3A_140, %dma_wait3A_179] : memref<125x80xi32, #tpu.memory_space<vmem>> -> memref<1x80xi32, #tpu.memory_space<vmem>>
      %dma_wait3A_181 = tpu.memref_squeeze %dma_wait3A_180 : memref<1x80xi32, #tpu.memory_space<vmem>> -> memref<80xi32, #tpu.memory_space<vmem>>
      %dma_wait3A_182 = arith.constant 0 : i32
      %dma_wait3A_183 = arith.constant 0 : i32
      %dma_wait3A_184 = tpu.memref_slice %arg2[%dma_wait3A_182, %dma_wait3A_183] : memref<10000x128xf32, #tpu.memory_space<hbm>> -> memref<10000x128xf32, #tpu.memory_space<hbm>>
      tpu.wait_indirect_dma semaphore(%arg12 : memref<!tpu.dma_semaphore, #tpu.memory_space<semaphore_mem>>) src(%dma_wait3A_184 : memref<10000x128xf32, #tpu.memory_space<hbm>>) dst(%arg11 : memref<80x128xf32, #tpu.memory_space<vmem>>)
      %dma_wait3A_185 = arith.constant 0 : i32
      %dma_wait3A_186 = tpu.memref_slice %arg9[%select_n3A_149, %dma_wait3A_185] : memref<64x80xi32, #tpu.memory_space<vmem>> -> memref<1x80xi32, #tpu.memory_space<vmem>>
      %dma_wait3A_187 = tpu.memref_squeeze %dma_wait3A_186 : memref<1x80xi32, #tpu.memory_space<vmem>> -> memref<80xi32, #tpu.memory_space<vmem>>
      %dma_wait3A_188 = arith.constant 0 : i32
      %dma_wait3A_189 = arith.constant 0 : i32
      %dma_wait3A_190 = tpu.memref_slice %arg7[%dma_wait3A_188, %dma_wait3A_189] : memref<10000x128xf32, #tpu.memory_space<vmem_shared>> -> memref<10000x128xf32, #tpu.memory_space<vmem_shared>>
      tpu.wait_indirect_dma semaphore(%arg13 : memref<!tpu.dma_semaphore, #tpu.memory_space<semaphore_mem>>) src(%arg10 : memref<80x128xf32, #tpu.memory_space<vmem>>) dst(%dma_wait3A_190 : memref<10000x128xf32, #tpu.memory_space<vmem_shared>>)
      %dma_start3A_191 = arith.constant 0 : i32
      %dma_start3A_192 = tpu.memref_slice %arg9[%add3A_151, %dma_start3A_191] : memref<64x80xi32, #tpu.memory_space<vmem>> -> memref<1x80xi32, #tpu.memory_space<vmem>>
      %dma_start3A_193 = tpu.memref_squeeze %dma_start3A_192 : memref<1x80xi32, #tpu.memory_space<vmem>> -> memref<80xi32, #tpu.memory_space<vmem>>
      %dma_start3A_194 = arith.constant 0 : i32
      %dma_start3A_195 = arith.constant 0 : i32
      %dma_start3A_196 = tpu.memref_slice %arg7[%dma_start3A_194, %dma_start3A_195] : memref<10000x128xf32, #tpu.memory_space<vmem_shared>> -> memref<10000x128xf32, #tpu.memory_space<vmem_shared>>
      tpu.enqueue_indirect_dma source(%arg11 : memref<80x128xf32, #tpu.memory_space<vmem>>) target(%dma_start3A_196 : memref<10000x128xf32, #tpu.memory_space<vmem_shared>>) offsets(%dma_start3A_193 : memref<80xi32, #tpu.memory_space<vmem>>) semaphore(%arg13 : memref<!tpu.dma_semaphore, #tpu.memory_space<semaphore_mem>>) {add = true}
      %add3A_197 = arith.constant 2 : i32
      %add3A_198 = arith.addi %mul3A_138, %add3A_197 : i32
      %dma_start3A_199 = arith.constant 0 : i32
      %dma_start3A_200 = tpu.memref_slice %arg8[%add3A_198, %dma_start3A_199] : memref<125x80xi32, #tpu.memory_space<vmem>> -> memref<1x80xi32, #tpu.memory_space<vmem>>
      %dma_start3A_201 = tpu.memref_squeeze %dma_start3A_200 : memref<1x80xi32, #tpu.memory_space<vmem>> -> memref<80xi32, #tpu.memory_space<vmem>>
      %dma_start3A_202 = arith.constant 0 : i32
      %dma_start3A_203 = arith.constant 0 : i32
      %dma_start3A_204 = tpu.memref_slice %arg2[%dma_start3A_202, %dma_start3A_203] : memref<10000x128xf32, #tpu.memory_space<hbm>> -> memref<10000x128xf32, #tpu.memory_space<hbm>>
      tpu.enqueue_indirect_dma source(%dma_start3A_204 : memref<10000x128xf32, #tpu.memory_space<hbm>>) target(%arg10 : memref<80x128xf32, #tpu.memory_space<vmem>>) offsets(%dma_start3A_201 : memref<80xi32, #tpu.memory_space<vmem>>) semaphore(%arg12 : memref<!tpu.dma_semaphore, #tpu.memory_space<semaphore_mem>>)
    }
    %scan3A_96 = arith.constant 62 : i32
    %dma_wait3A_97 = arith.constant 124 : i32
    %dma_wait3A_98 = arith.constant 0 : i32
    %dma_wait3A_99 = tpu.memref_slice %arg8[%dma_wait3A_97, %dma_wait3A_98] : memref<125x80xi32, #tpu.memory_space<vmem>> -> memref<1x80xi32, #tpu.memory_space<vmem>>
    %dma_wait3A_100 = tpu.memref_squeeze %dma_wait3A_99 : memref<1x80xi32, #tpu.memory_space<vmem>> -> memref<80xi32, #tpu.memory_space<vmem>>
    %dma_wait3A_101 = arith.constant 0 : i32
    %dma_wait3A_102 = arith.constant 0 : i32
    %dma_wait3A_103 = tpu.memref_slice %arg2[%dma_wait3A_101, %dma_wait3A_102] : memref<10000x128xf32, #tpu.memory_space<hbm>> -> memref<10000x128xf32, #tpu.memory_space<hbm>>
    tpu.wait_indirect_dma semaphore(%arg12 : memref<!tpu.dma_semaphore, #tpu.memory_space<semaphore_mem>>) src(%dma_wait3A_103 : memref<10000x128xf32, #tpu.memory_space<hbm>>) dst(%arg10 : memref<80x128xf32, #tpu.memory_space<vmem>>)
    %dma_wait3A_104 = arith.constant 59 : i32
    %dma_wait3A_105 = arith.constant 0 : i32
    %dma_wait3A_106 = tpu.memref_slice %arg9[%dma_wait3A_104, %dma_wait3A_105] : memref<64x80xi32, #tpu.memory_space<vmem>> -> memref<1x80xi32, #tpu.memory_space<vmem>>
    %dma_wait3A_107 = tpu.memref_squeeze %dma_wait3A_106 : memref<1x80xi32, #tpu.memory_space<vmem>> -> memref<80xi32, #tpu.memory_space<vmem>>
    %dma_wait3A_108 = arith.constant 0 : i32
    %dma_wait3A_109 = arith.constant 0 : i32
    %dma_wait3A_110 = tpu.memref_slice %arg7[%dma_wait3A_108, %dma_wait3A_109] : memref<10000x128xf32, #tpu.memory_space<vmem_shared>> -> memref<10000x128xf32, #tpu.memory_space<vmem_shared>>
    tpu.wait_indirect_dma semaphore(%arg13 : memref<!tpu.dma_semaphore, #tpu.memory_space<semaphore_mem>>) src(%arg11 : memref<80x128xf32, #tpu.memory_space<vmem>>) dst(%dma_wait3A_110 : memref<10000x128xf32, #tpu.memory_space<vmem_shared>>)
    %dma_start3A_111 = arith.constant 60 : i32
    %dma_start3A_112 = arith.constant 0 : i32
    %dma_start3A_113 = tpu.memref_slice %arg9[%dma_start3A_111, %dma_start3A_112] : memref<64x80xi32, #tpu.memory_space<vmem>> -> memref<1x80xi32, #tpu.memory_space<vmem>>
    %dma_start3A_114 = tpu.memref_squeeze %dma_start3A_113 : memref<1x80xi32, #tpu.memory_space<vmem>> -> memref<80xi32, #tpu.memory_space<vmem>>
    %dma_start3A_115 = arith.constant 0 : i32
    %dma_start3A_116 = arith.constant 0 : i32
    %dma_start3A_117 = tpu.memref_slice %arg7[%dma_start3A_115, %dma_start3A_116] : memref<10000x128xf32, #tpu.memory_space<vmem_shared>> -> memref<10000x128xf32, #tpu.memory_space<vmem_shared>>
    tpu.enqueue_indirect_dma source(%arg10 : memref<80x128xf32, #tpu.memory_space<vmem>>) target(%dma_start3A_117 : memref<10000x128xf32, #tpu.memory_space<vmem_shared>>) offsets(%dma_start3A_114 : memref<80xi32, #tpu.memory_space<vmem>>) semaphore(%arg13 : memref<!tpu.dma_semaphore, #tpu.memory_space<semaphore_mem>>) {add = true}
    %dma_wait3A_118 = arith.constant 60 : i32
    %dma_wait3A_119 = arith.constant 0 : i32
    %dma_wait3A_120 = tpu.memref_slice %arg9[%dma_wait3A_118, %dma_wait3A_119] : memref<64x80xi32, #tpu.memory_space<vmem>> -> memref<1x80xi32, #tpu.memory_space<vmem>>
    %dma_wait3A_121 = tpu.memref_squeeze %dma_wait3A_120 : memref<1x80xi32, #tpu.memory_space<vmem>> -> memref<80xi32, #tpu.memory_space<vmem>>
    %dma_wait3A_122 = arith.constant 0 : i32
    %dma_wait3A_123 = arith.constant 0 : i32
    %dma_wait3A_124 = tpu.memref_slice %arg7[%dma_wait3A_122, %dma_wait3A_123] : memref<10000x128xf32, #tpu.memory_space<vmem_shared>> -> memref<10000x128xf32, #tpu.memory_space<vmem_shared>>
    tpu.wait_indirect_dma semaphore(%arg13 : memref<!tpu.dma_semaphore, #tpu.memory_space<semaphore_mem>>) src(%arg10 : memref<80x128xf32, #tpu.memory_space<vmem>>) dst(%dma_wait3A_124 : memref<10000x128xf32, #tpu.memory_space<vmem_shared>>)
    %barrier3A_125 = arith.constant 0 : index
    tpu.barrier barrier_id(%barrier3A_125)
    %lt3A_126 = arith.constant 14 : i32
    %lt3A_127 = arith.cmpi slt, %arg1, %lt3A_126 : i32
    %convert_element_type3A_128 = arith.extui %lt3A_127 : i1 to i32
    %cond3A_129 = arith.constant 0 : i32
    %cond3A_130 = arith.cmpi ne, %convert_element_type3A_128, %cond3A_129 : i32
    scf.if %cond3A_130 {
      "tpu.region"() ({
        %run_scoped3A = tpu.sem_alloc : memref<!tpu.dma_semaphore, #tpu.memory_space<semaphore_mem>>
        %dma_start3A_136 = arith.constant 0 : i32
        %dma_start3A_137 = tpu.memref_slice %arg6[%arg0, %select_n3A, %dma_start3A_136] : memref<2x10000x128xf32, #tpu.memory_space<hbm>> -> memref<1x632x128xf32, #tpu.memory_space<hbm>>
        %dma_start3A_138 = tpu.memref_squeeze %dma_start3A_137 : memref<1x632x128xf32, #tpu.memory_space<hbm>> -> memref<632x128xf32, #tpu.memory_space<hbm>>
        %dma_start3A_139 = arith.constant 0 : i32
        %dma_start3A_140 = tpu.memref_slice %arg7[%select_n3A, %dma_start3A_139] : memref<10000x128xf32, #tpu.memory_space<vmem_shared>> -> memref<632x128xf32, #tpu.memory_space<vmem_shared>>
        tpu.enqueue_dma source(%dma_start3A_140 : memref<632x128xf32, #tpu.memory_space<vmem_shared>>) target(%dma_start3A_138 : memref<632x128xf32, #tpu.memory_space<hbm>>) target_semaphore(%run_scoped3A : memref<!tpu.dma_semaphore, #tpu.memory_space<semaphore_mem>>)
        %dma_wait3A_141 = arith.constant 0 : i32
        %dma_wait3A_142 = tpu.memref_slice %arg6[%arg0, %select_n3A, %dma_wait3A_141] : memref<2x10000x128xf32, #tpu.memory_space<hbm>> -> memref<1x632x128xf32, #tpu.memory_space<hbm>>
        %dma_wait3A_143 = tpu.memref_squeeze %dma_wait3A_142 : memref<1x632x128xf32, #tpu.memory_space<hbm>> -> memref<632x128xf32, #tpu.memory_space<hbm>>
        %dma_wait3A_144 = arith.constant 0 : i32
        %dma_wait3A_145 = tpu.memref_slice %arg7[%select_n3A, %dma_wait3A_144] : memref<10000x128xf32, #tpu.memory_space<vmem_shared>> -> memref<632x128xf32, #tpu.memory_space<vmem_shared>>
        tpu.wait_dma2 semaphore(%run_scoped3A : memref<!tpu.dma_semaphore, #tpu.memory_space<semaphore_mem>>) src(%dma_wait3A_145 : memref<632x128xf32, #tpu.memory_space<vmem_shared>>) dst(%dma_wait3A_143 : memref<632x128xf32, #tpu.memory_space<hbm>>)
        tpu.yield
      }) : () -> ()
    } else {
    }
    %ge3A_131 = arith.constant 14 : i32
    %ge3A_132 = arith.cmpi sge, %arg1, %ge3A_131 : i32
    %convert_element_type3A_133 = arith.extui %ge3A_132 : i1 to i32
    %cond3A_134 = arith.constant 0 : i32
    %cond3A_135 = arith.cmpi ne, %convert_element_type3A_133, %cond3A_134 : i32
    scf.if %cond3A_135 {
      "tpu.region"() ({
        %run_scoped3A = tpu.sem_alloc : memref<!tpu.dma_semaphore, #tpu.memory_space<semaphore_mem>>
        %dma_start3A_136 = arith.constant 0 : i32
        %dma_start3A_137 = tpu.memref_slice %arg6[%arg0, %select_n3A, %dma_start3A_136] : memref<2x10000x128xf32, #tpu.memory_space<hbm>> -> memref<1x576x128xf32, #tpu.memory_space<hbm>>
        %dma_start3A_138 = tpu.memref_squeeze %dma_start3A_137 : memref<1x576x128xf32, #tpu.memory_space<hbm>> -> memref<576x128xf32, #tpu.memory_space<hbm>>
        %dma_start3A_139 = arith.constant 0 : i32
        %dma_start3A_140 = tpu.memref_slice %arg7[%select_n3A, %dma_start3A_139] : memref<10000x128xf32, #tpu.memory_space<vmem_shared>> -> memref<576x128xf32, #tpu.memory_space<vmem_shared>>
        tpu.enqueue_dma source(%dma_start3A_140 : memref<576x128xf32, #tpu.memory_space<vmem_shared>>) target(%dma_start3A_138 : memref<576x128xf32, #tpu.memory_space<hbm>>) target_semaphore(%run_scoped3A : memref<!tpu.dma_semaphore, #tpu.memory_space<semaphore_mem>>)
        %dma_wait3A_141 = arith.constant 0 : i32
        %dma_wait3A_142 = tpu.memref_slice %arg6[%arg0, %select_n3A, %dma_wait3A_141] : memref<2x10000x128xf32, #tpu.memory_space<hbm>> -> memref<1x576x128xf32, #tpu.memory_space<hbm>>
        %dma_wait3A_143 = tpu.memref_squeeze %dma_wait3A_142 : memref<1x576x128xf32, #tpu.memory_space<hbm>> -> memref<576x128xf32, #tpu.memory_space<hbm>>
        %dma_wait3A_144 = arith.constant 0 : i32
        %dma_wait3A_145 = tpu.memref_slice %arg7[%select_n3A, %dma_wait3A_144] : memref<10000x128xf32, #tpu.memory_space<vmem_shared>> -> memref<576x128xf32, #tpu.memory_space<vmem_shared>>
        tpu.wait_dma2 semaphore(%run_scoped3A : memref<!tpu.dma_semaphore, #tpu.memory_space<semaphore_mem>>) src(%dma_wait3A_145 : memref<576x128xf32, #tpu.memory_space<vmem_shared>>) dst(%dma_wait3A_143 : memref<576x128xf32, #tpu.memory_space<hbm>>)
        tpu.yield
      }) : () -> ()
    } else {
    }
    return
  }
}

module attributes {stable_mosaic.version = 14 : i64} {
  func.func @_scale_body(%arg0: i32, %arg1: memref<2000x128xf32, #tpu.memory_space<vmem>>, %arg2: memref<2000x1xf32, #tpu.memory_space<vmem>>, %arg3: memref<2000x1xf32, #tpu.memory_space<vmem>>, %arg4: memref<2000x128xf32, #tpu.memory_space<vmem>>) attributes {dimension_semantics = [#tpu.dimension_semantics<arbitrary>], iteration_bounds = array<i64: 5>, scalar_prefetch = 0 : i64, scratch_operands = 0 : i64, tpu.core_type = #tpu.core_type<tc>, window_params = [{transform_indices = @transform_0, window_bounds = array<i64: 2000, 128>}, {transform_indices = @transform_1, window_bounds = array<i64: 2000, 1>}, {transform_indices = @transform_2, window_bounds = array<i64: 2000, 1>}, {transform_indices = @transform_3, window_bounds = array<i64: 2000, 128>}]} {
    %get3A = arith.constant 0 : index
    %get3A_0 = arith.constant 0 : index
    %get3A_1 = vector.load %arg2[%get3A, %get3A_0] : memref<2000x1xf32, #tpu.memory_space<vmem>>, vector<2000x1xf32>
    %get3A_2 = arith.constant 0 : index
    %get3A_3 = arith.constant 0 : index
    %get3A_4 = vector.load %arg3[%get3A_2, %get3A_3] : memref<2000x1xf32, #tpu.memory_space<vmem>>, vector<2000x1xf32>
    %add3A = arith.addf %get3A_1, %get3A_4 : vector<2000x1xf32>
    %gt3A = arith.constant 0.000000e+00 : f32
    %gt3A_5 = vector.broadcast %gt3A : f32 to vector<2000x1xf32>
    %gt3A_6 = arith.cmpf ogt, %add3A, %gt3A_5 : vector<2000x1xf32>
    %rsqrt3A = math.rsqrt %add3A : vector<2000x1xf32>
    %jit3A = arith.constant 0.000000e+00 : f32
    %broadcast_in_dim3A = vector.broadcast %jit3A : f32 to vector<2000x1xf32>
    %select_n3A = arith.select %gt3A_6, %rsqrt3A, %broadcast_in_dim3A : vector<2000x1xi1>, vector<2000x1xf32>
    %get3A_7 = arith.constant 0 : index
    %get3A_8 = arith.constant 0 : index
    %get3A_9 = vector.load %arg1[%get3A_7, %get3A_8] : memref<2000x128xf32, #tpu.memory_space<vmem>>, vector<2000x128xf32>
    %mul3A = vector.broadcast %select_n3A : vector<2000x1xf32> to vector<2000x128xf32>
    %mul3A_10 = arith.mulf %get3A_9, %mul3A : vector<2000x128xf32>
    %swap3A = arith.constant 0 : index
    %swap3A_11 = arith.constant 0 : index
    %swap3A_12 = vector.load %arg4[%swap3A, %swap3A_11] : memref<2000x128xf32, #tpu.memory_space<vmem>>, vector<2000x128xf32>
    tpu.vector_store %arg4[%swap3A, %swap3A_11], %mul3A_10 {strides = array<i32>} : memref<2000x128xf32, #tpu.memory_space<vmem>>, vector<2000x128xf32>,
    return
  }
  func.func @transform_0(%arg0: i32) -> (i32, i32) {
    %c0_i32 = arith.constant 0 : i32
    %c0_i32_0 = arith.constant 0 : i32
    return %arg0, %c0_i32 : i32, i32
  }
  func.func @transform_1(%arg0: i32) -> (i32, i32) {
    %c0_i32 = arith.constant 0 : i32
    %c0_i32_0 = arith.constant 0 : i32
    return %arg0, %c0_i32 : i32, i32
  }
  func.func @transform_2(%arg0: i32) -> (i32, i32) {
    %c0_i32 = arith.constant 0 : i32
    %c0_i32_0 = arith.constant 0 : i32
    return %arg0, %c0_i32 : i32, i32
  }
  func.func @transform_3(%arg0: i32) -> (i32, i32) {
    %c0_i32 = arith.constant 0 : i32
    %c0_i32_0 = arith.constant 0 : i32
    return %arg0, %c0_i32 : i32, i32
  }
}

module attributes {stable_mosaic.version = 14 : i64} {
  func.func @_head_body(%arg0: i32, %arg1: memref<2x2000x128xf32, #tpu.memory_space<vmem>>, %arg2: memref<2000x1xf32, #tpu.memory_space<vmem>>, %arg3: memref<2000x1xf32, #tpu.memory_space<vmem>>, %arg4: memref<128x128xf32, #tpu.memory_space<vmem>>, %arg5: memref<128xf32, #tpu.memory_space<vmem>>, %arg6: memref<128x128xf32, #tpu.memory_space<vmem>>, %arg7: memref<128xf32, #tpu.memory_space<vmem>>, %arg8: memref<128x1xf32, #tpu.memory_space<vmem>>, %arg9: memref<1xf32, #tpu.memory_space<vmem>>, %arg10: memref<2000x1xf32, #tpu.memory_space<vmem>>, %arg11: memref<2000x128xf32, #tpu.memory_space<vmem>>) attributes {dimension_semantics = [#tpu.dimension_semantics<arbitrary>], iteration_bounds = array<i64: 5>, scalar_prefetch = 0 : i64, scratch_operands = 0 : i64, tpu.core_type = #tpu.core_type<tc>, window_params = [{transform_indices = @transform_0, window_bounds = array<i64: 2, 2000, 128>}, {transform_indices = @transform_1, window_bounds = array<i64: 2000, 1>}, {transform_indices = @transform_2, window_bounds = array<i64: 2000, 1>}, {pipeline_mode = #tpu.pipeline_mode<synchronous>, transform_indices = @transform_3, window_bounds = array<i64: 128, 128>}, {pipeline_mode = #tpu.pipeline_mode<synchronous>, transform_indices = @transform_4, window_bounds = array<i64: 128>}, {pipeline_mode = #tpu.pipeline_mode<synchronous>, transform_indices = @transform_5, window_bounds = array<i64: 128, 128>}, {pipeline_mode = #tpu.pipeline_mode<synchronous>, transform_indices = @transform_6, window_bounds = array<i64: 128>}, {pipeline_mode = #tpu.pipeline_mode<synchronous>, transform_indices = @transform_7, window_bounds = array<i64: 128, 1>}, {pipeline_mode = #tpu.pipeline_mode<synchronous>, transform_indices = @transform_8, window_bounds = array<i64: 1>}, {transform_indices = @transform_9, window_bounds = array<i64: 2000, 1>}, {transform_indices = @transform_10, window_bounds = array<i64: 2000, 128>}]} {
    %get3A = arith.constant 0 : index
    %get3A_0 = arith.constant 0 : index
    %get3A_1 = vector.load %arg2[%get3A, %get3A_0] : memref<2000x1xf32, #tpu.memory_space<vmem>>, vector<2000x1xf32>
    %get3A_2 = arith.constant 0 : index
    %get3A_3 = arith.constant 0 : index
    %get3A_4 = vector.load %arg3[%get3A_2, %get3A_3] : memref<2000x1xf32, #tpu.memory_space<vmem>>, vector<2000x1xf32>
    %add3A = arith.addf %get3A_1, %get3A_4 : vector<2000x1xf32>
    %gt3A = arith.constant 0.000000e+00 : f32
    %gt3A_5 = vector.broadcast %gt3A : f32 to vector<2000x1xf32>
    %gt3A_6 = arith.cmpf ogt, %add3A, %gt3A_5 : vector<2000x1xf32>
    %rsqrt3A = math.rsqrt %add3A : vector<2000x1xf32>
    %jit3A = arith.constant 0.000000e+00 : f32
    %broadcast_in_dim3A = vector.broadcast %jit3A : f32 to vector<2000x1xf32>
    %select_n3A = arith.select %gt3A_6, %rsqrt3A, %broadcast_in_dim3A : vector<2000x1xi1>, vector<2000x1xf32>
    %get3A_7 = arith.constant 0 : index
    %get3A_8 = arith.constant 0 : index
    %get3A_9 = arith.constant 0 : index
    %get3A_10 = vector.load %arg1[%get3A_7, %get3A_8, %get3A_9] : memref<2x2000x128xf32, #tpu.memory_space<vmem>>, vector<1x2000x128xf32>
    %get3A_11 = vector.shape_cast %get3A_10 : vector<1x2000x128xf32> to vector<2000x128xf32>
    %get3A_12 = arith.constant 1 : index
    %get3A_13 = arith.constant 0 : index
    %get3A_14 = arith.constant 0 : index
    %get3A_15 = vector.load %arg1[%get3A_12, %get3A_13, %get3A_14] : memref<2x2000x128xf32, #tpu.memory_space<vmem>>, vector<1x2000x128xf32>
    %get3A_16 = vector.shape_cast %get3A_15 : vector<1x2000x128xf32> to vector<2000x128xf32>
    %add3A_17 = arith.addf %get3A_11, %get3A_16 : vector<2000x128xf32>
    %mul3A = vector.broadcast %select_n3A : vector<2000x1xf32> to vector<2000x128xf32>
    %mul3A_18 = arith.mulf %add3A_17, %mul3A : vector<2000x128xf32>
    %get3A_19 = arith.constant 0 : index
    %get3A_20 = arith.constant 0 : index
    %get3A_21 = vector.load %arg4[%get3A_19, %get3A_20] : memref<128x128xf32, #tpu.memory_space<vmem>>, vector<128x128xf32>
    %dot_general3A = arith.constant dense<0.000000e+00> : vector<2000x128xf32>
    %dot_general3A_22 = tpu.matmul %mul3A_18, %get3A_21, %dot_general3A {dimension_numbers = #tpu.dot_dimension_numbers<[1], [0], [0], [1], [0, 0, 1, 1], [], []>, transpose_lhs_hint = false} : vector<2000x128xf32>, vector<128x128xf32>, vector<2000x128xf32> -> vector<2000x128xf32>
    %get3A_23 = arith.constant 0 : index
    %get3A_24 = vector.load %arg5[%get3A_23] : memref<128xf32, #tpu.memory_space<vmem>>, vector<128xf32>
    %broadcast_in_dim3A_25 = vector.shape_cast %get3A_24 : vector<128xf32> to vector<1x128xf32>
    %add3A_26 = vector.broadcast %broadcast_in_dim3A_25 : vector<1x128xf32> to vector<2000x128xf32>
    %add3A_27 = arith.addf %dot_general3A_22, %add3A_26 : vector<2000x128xf32>
    %get3A_28 = arith.constant 0 : index
    %get3A_29 = arith.constant 0 : index
    %get3A_30 = vector.load %arg6[%get3A_28, %get3A_29] : memref<128x128xf32, #tpu.memory_space<vmem>>, vector<128x128xf32>
    %dot_general3A_31 = arith.constant dense<0.000000e+00> : vector<2000x128xf32>
    %dot_general3A_32 = tpu.matmul %add3A_27, %get3A_30, %dot_general3A_31 {dimension_numbers = #tpu.dot_dimension_numbers<[1], [0], [0], [1], [0, 0, 1, 1], [], []>, transpose_lhs_hint = false} : vector<2000x128xf32>, vector<128x128xf32>, vector<2000x128xf32> -> vector<2000x128xf32>
    %get3A_33 = arith.constant 0 : index
    %get3A_34 = vector.load %arg7[%get3A_33] : memref<128xf32, #tpu.memory_space<vmem>>, vector<128xf32>
    %broadcast_in_dim3A_35 = vector.shape_cast %get3A_34 : vector<128xf32> to vector<1x128xf32>
    %add3A_36 = vector.broadcast %broadcast_in_dim3A_35 : vector<1x128xf32> to vector<2000x128xf32>
    %add3A_37 = arith.addf %dot_general3A_32, %add3A_36 : vector<2000x128xf32>
    %max3A = arith.constant 0.000000e+00 : f32
    %max3A_38 = vector.broadcast %max3A : f32 to vector<2000x128xf32>
    %max3A_39 = arith.maximumf %add3A_37, %max3A_38 : vector<2000x128xf32>
    %get3A_40 = arith.constant 0 : index
    %get3A_41 = arith.constant 0 : index
    %get3A_42 = vector.load %arg8[%get3A_40, %get3A_41] : memref<128x1xf32, #tpu.memory_space<vmem>>, vector<128x1xf32>
    %dot_general3A_43 = arith.constant dense<0.000000e+00> : vector<2000x1xf32>
    %dot_general3A_44 = tpu.matmul %max3A_39, %get3A_42, %dot_general3A_43 {dimension_numbers = #tpu.dot_dimension_numbers<[1], [0], [0], [1], [0, 0, 1, 1], [], []>, transpose_lhs_hint = false} : vector<2000x128xf32>, vector<128x1xf32>, vector<2000x1xf32> -> vector<2000x1xf32>
    %get3A_45 = arith.constant 0 : index
    %get3A_46 = vector.load %arg9[%get3A_45] : memref<1xf32, #tpu.memory_space<vmem>>, vector<1xf32>
    %broadcast_in_dim3A_47 = vector.shape_cast %get3A_46 : vector<1xf32> to vector<1x1xf32>
    %add3A_48 = vector.broadcast %broadcast_in_dim3A_47 : vector<1x1xf32> to vector<2000x1xf32>
    %add3A_49 = arith.addf %dot_general3A_44, %add3A_48 : vector<2000x1xf32>
    %swap3A = arith.constant 0 : index
    %swap3A_50 = arith.constant 0 : index
    %swap3A_51 = vector.load %arg10[%swap3A, %swap3A_50] : memref<2000x1xf32, #tpu.memory_space<vmem>>, vector<2000x1xf32>
    tpu.vector_store %arg10[%swap3A, %swap3A_50], %add3A_49 {strides = array<i32>} : memref<2000x1xf32, #tpu.memory_space<vmem>>, vector<2000x1xf32>,
    %swap3A_52 = arith.constant 0 : index
    %swap3A_53 = arith.constant 0 : index
    %swap3A_54 = vector.load %arg11[%swap3A_52, %swap3A_53] : memref<2000x128xf32, #tpu.memory_space<vmem>>, vector<2000x128xf32>
    tpu.vector_store %arg11[%swap3A_52, %swap3A_53], %max3A_39 {strides = array<i32>} : memref<2000x128xf32, #tpu.memory_space<vmem>>, vector<2000x128xf32>,
    return
  }
  func.func @transform_0(%arg0: i32) -> (i32, i32, i32) {
    %c0_i32 = arith.constant 0 : i32
    %c0_i32_0 = arith.constant 0 : i32
    %c0_i32_1 = arith.constant 0 : i32
    return %c0_i32, %arg0, %c0_i32_0 : i32, i32, i32
  }
  func.func @transform_1(%arg0: i32) -> (i32, i32) {
    %c0_i32 = arith.constant 0 : i32
    %c0_i32_0 = arith.constant 0 : i32
    return %arg0, %c0_i32 : i32, i32
  }
  func.func @transform_2(%arg0: i32) -> (i32, i32) {
    %c0_i32 = arith.constant 0 : i32
    %c0_i32_0 = arith.constant 0 : i32
    return %arg0, %c0_i32 : i32, i32
  }
  func.func @transform_3(%arg0: i32) -> (i32, i32) {
    %c0_i32 = arith.constant 0 : i32
    %c0_i32_0 = arith.constant 0 : i32
    %c0_i32_1 = arith.constant 0 : i32
    return %c0_i32, %c0_i32_0 : i32, i32
  }
  func.func @transform_4(%arg0: i32) -> i32 {
    %c0_i32 = arith.constant 0 : i32
    %c0_i32_0 = arith.constant 0 : i32
    return %c0_i32 : i32
  }
  func.func @transform_5(%arg0: i32) -> (i32, i32) {
    %c0_i32 = arith.constant 0 : i32
    %c0_i32_0 = arith.constant 0 : i32
    %c0_i32_1 = arith.constant 0 : i32
    return %c0_i32, %c0_i32_0 : i32, i32
  }
  func.func @transform_6(%arg0: i32) -> i32 {
    %c0_i32 = arith.constant 0 : i32
    %c0_i32_0 = arith.constant 0 : i32
    return %c0_i32 : i32
  }
  func.func @transform_7(%arg0: i32) -> (i32, i32) {
    %c0_i32 = arith.constant 0 : i32
    %c0_i32_0 = arith.constant 0 : i32
    %c0_i32_1 = arith.constant 0 : i32
    return %c0_i32, %c0_i32_0 : i32, i32
  }
  func.func @transform_8(%arg0: i32) -> i32 {
    %c0_i32 = arith.constant 0 : i32
    %c0_i32_0 = arith.constant 0 : i32
    return %c0_i32 : i32
  }
  func.func @transform_9(%arg0: i32) -> (i32, i32) {
    %c0_i32 = arith.constant 0 : i32
    %c0_i32_0 = arith.constant 0 : i32
    return %arg0, %c0_i32 : i32, i32
  }
  func.func @transform_10(%arg0: i32) -> (i32, i32) {
    %c0_i32 = arith.constant 0 : i32
    %c0_i32_0 = arith.constant 0 : i32
    return %arg0, %c0_i32 : i32, i32
  }
}

</mosaic_0001>

<sc_bundles>
// kernel: kernel.6.cloned.1.call-start
scs
__scs_entry_jumppad:
0x0: {  	(pc) =	sbr.rel $0x88, $3  }
0x1: {  	(tag) =	ssettag $0x0;
	lr =	simm.s32 $0x1  }
0x2: {  	[smem:$0x3F99] =	sst lr;
	_ =	strace $0xD0000000  }
0x3: {  	_ = 	snop  }
0x4: {  	_ = 	snop  }
0x5: {  	_ = 	snop  }
0x6: {  	_ = 	snop  }
0x7: {  	_ = 	snop  }
__scs_overlays_trampoline_lowered:
0x8: {  	[smem:$0x3FA8] =	sst s0  }
0x9: {  	[smem:$0x3FA9] =	sst s1  }
0xa: {  	[smem:$0x3FAA] =	sst s2  }
0xb: {  	[smem:$0x3FAB] =	sst s3  }
0xc: {  	[smem:$0x3FAC] =	sst s4  }
0xd: {  	[smem:$0x3FAD] =	sst s5  }
0xe: {  	[smem:$0x3FAE] =	sst s6  }
0xf: {  	[smem:$0x3FAF] =	sst s7  }
0x10: {  	[smem:$0x3FB0] =	sst s8  }
0x11: {  	[smem:$0x3FB1] =	sst s9;
	s0 =	simm.s32 @!p0 $0x0  }
0x12: {  	s1 =	sld [smem:$0x3F97];
	s0 =	simm.s32 @p0 $0x1  }
0x13: {  	[smem:$0x3FB2] =	sst s0;
	s0 =	simm.s32 @!p1 $0x0  }
0x14: {  	s2 =	sld [smem:$0x3F96];
	s0 =	simm.s32 @p1 $0x1  }
0x15: {  	[smem:$0x3FB3] =	sst s0;
	s0 =	simm.s32 @!p2 $0x0  }
0x16: {  	s3 =	sld [smem:$0x3FDB];
	s0 =	simm.s32 @p2 $0x1  }
0x17: {  	s4 =	simm.s32 $0x1BF5;
	[smem:$0x3FB5] =	sst s0  }
0x18: {  	s0 =	sld [smem:$0x3F98];
	_ =	swait.ge [sflag:s4], $0x0  }
0x19: {  	s7 =	sld [smem:$0x3F99]  }
0x1a: {  	s8 =	sadd.s32 $0xFFFFE003, lr  }
0x1b: {  	s9 =	sadd.s32 $0xFFFFFEF7, lr;
	s5 =	simm.s32 $0xFFFFFFFF;
	p2 =	slt.u32 s8, $0xFFFFF086  }
0x1c: {  	p1 =	slt.u32 s9, $0xF7A;
	s5 =	simm.s32 @!p2 $0x0  }
0x1d: {  	s5 =	simm.s32 @p1 $0x1;
	p0 =	seq.s32 s7, s2  }
0x1e: {  	s7 =	smul.u32 @!p0 $0xF7A, s2;
	p2 =	seq.s32 @!p0 s5, $0x0  }
0x1f: {  	s9 =	smul.u32 $0xF7A, s1;
	s8 =	simm.s32 @!p0 $0x1BF5;
	p2 =	por !p2, p0  }
0x20: {  	[sflag:s8] =	ssyncset.s32 @!p0 $0xFFFFF086;
	s6 =	sadd.s32 @!p0 s3, s7;
	s7 =	simm.s32 @!p0 $0x108  }
0x21: {  	s3 =	sadd.s32 s3, s9;
	s6 =	sadd.s32 @!p0 $0x88, s6;
	s7 =	simm.s32 @p2 $0x1082  }
0x22: {  	[simem:s7], [sflag:s8] =	dma.local @!p0 [hbm:s6], $0xF7A  }
0x23: {  	s9 =	sor.u32 $0xD0000000, s2;
	s6 =	simm.s32 $0x108;
	_ =	swait.ge @!p0 [sflag:s8], $0x0  }
0x24: {  	s3 =	sadd.s32 $0x88, s3;
	s6 =	simm.s32 @!p1 $0x1082;
	[sflag:s4] =	ssyncset.s32 $0xFFFFF086  }
0x25: {  	[simem:s6], [sflag:s4] =	dma.local [hbm:s3], $0xF7A  }
0x26: {  	[smem:$0x3F99] =	sst s1;
	(tag) =	ssettag s2;
	_ =	strace s9  }
0x27: {  	s1 =	sld [smem:$0x3FA9]  }
0x28: {  	s2 =	sld [smem:$0x3FAA]  }
0x29: {  	s4 =	sld [smem:$0x3FAC]  }
0x2a: {  	p0 =	seq.s32 s5, $0x0;
	s5 =	sld [smem:$0x3FAD]  }
0x2b: {  	s6 =	sld [smem:$0x3FAE]  }
0x2c: {  	s7 =	sld [smem:$0x3FAF]  }
0x2d: {  	s3 =	simm.s32 $0x108;
	s8 =	sld [smem:$0x3FB0]  }
0x2e: {  	s3 =	simm.s32 @!p0 $0x1082;
	s9 =	sld [smem:$0x3FB1]  }
0x2f: {  	lr =	sadd.s32 s0, s3;
	s0 =	sld [smem:$0x3FA8]  }
0x30: {  	s3 =	sld [smem:$0x3FAB]  }
0x31: {  	[smem:$0x3FB4] =	sst s10  }
0x32: {  	s10 =	sld [smem:$0x3FB2];
	_ =	sdelay $0x3  }
0x33: {  	p0 =	seq.s32 s10, $0x1;
	s10 =	sld [smem:$0x3FB4];
	_ =	sdelay $0x3  }
0x34: {  	[smem:$0x3FB4] =	sst s10  }
0x35: {  	s10 =	sld [smem:$0x3FB3];
	_ =	sdelay $0x3  }
0x36: {  	p1 =	seq.s32 s10, $0x1;
	s10 =	sld [smem:$0x3FB4];
	_ =	sdelay $0x3  }
0x37: {  	[smem:$0x3FB4] =	sst s10  }
0x38: {  	s10 =	sld [smem:$0x3FB5]  }
0x39: {  	_ = 	snop;
	(pc) =	sbr.ind lr, $3  }
0x3a: {  	_ = 	snop  }
0x3b: {  	_ = 	snop  }
0x3c: {  	p2 =	seq.s32 s10, $0x1;
	s10 =	sld [smem:$0x3FB4]  }
0x3d: {  	_ =	shalt  }
0x3e: {  	_ =	shalt  }
0x3f: {  	_ =	shalt  }
0x40: {  	_ =	shalt  }
0x41: {  	_ =	shalt  }
0x42: {  	_ =	shalt  }
0x43: {  	_ =	shalt  }
0x44: {  	_ =	shalt  }
0x45: {  	_ =	shalt  }
0x46: {  	_ =	shalt  }
0x47: {  	_ =	shalt  }
0x48: {  	_ =	shalt  }
0x49: {  	_ =	shalt  }
0x4a: {  	_ =	shalt  }
0x4b: {  	_ =	shalt  }
0x4c: {  	_ =	shalt  }
0x4d: {  	_ =	shalt  }
0x4e: {  	_ =	shalt  }
0x4f: {  	_ =	shalt  }
0x50: {  	_ =	shalt  }
0x51: {  	_ =	shalt  }
0x52: {  	_ =	shalt  }
0x53: {  	_ =	shalt  }
0x54: {  	_ =	shalt  }
0x55: {  	_ =	shalt  }
0x56: {  	_ =	shalt  }
0x57: {  	_ =	shalt  }
0x58: {  	_ =	shalt  }
0x59: {  	_ =	shalt  }
0x5a: {  	_ =	shalt  }
0x5b: {  	_ =	shalt  }
0x5c: {  	_ =	shalt  }
0x5d: {  	_ =	shalt  }
0x5e: {  	_ =	shalt  }
0x5f: {  	_ =	shalt  }
0x60: {  	_ =	shalt  }
0x61: {  	_ =	shalt  }
0x62: {  	_ =	shalt  }
0x63: {  	_ =	shalt  }
0x64: {  	_ =	shalt  }
0x65: {  	_ =	shalt  }
0x66: {  	_ =	shalt  }
0x67: {  	_ =	shalt  }
0x68: {  	_ =	shalt  }
0x69: {  	_ =	shalt  }
0x6a: {  	_ =	shalt  }
0x6b: {  	_ =	shalt  }
0x6c: {  	_ =	shalt  }
0x6d: {  	_ =	shalt  }
0x6e: {  	_ =	shalt  }
0x6f: {  	_ =	shalt  }
0x70: {  	_ =	shalt  }
0x71: {  	_ =	shalt  }
0x72: {  	_ =	shalt  }
0x73: {  	_ =	shalt  }
0x74: {  	_ =	shalt  }
0x75: {  	_ =	shalt  }
0x76: {  	_ =	shalt  }
0x77: {  	_ =	shalt  }
0x78: {  	_ =	shalt  }
0x79: {  	_ =	shalt  }
0x7a: {  	_ =	shalt  }
0x7b: {  	_ =	shalt  }
0x7c: {  	_ =	shalt  }
0x7d: {  	_ =	shalt  }
0x7e: {  	_ =	shalt  }
0x7f: {  	_ =	shalt  }
0x80: {  	_ =	shalt  }
0x81: {  	_ =	shalt  }
0x82: {  	_ =	shalt  }
0x83: {  	_ =	shalt  }
0x84: {  	_ =	shalt  }
0x85: {  	_ =	shalt  }
0x86: {  	_ =	shalt  }
0x87: {  	_ =	shalt  }
.Lfunc_end0:
.L_simem_size_0:
called_computation_lowered:
.L_overlay_start_0:
0x88: {  	s2 =	sld [smem:$0x3FD9]  }
0x89: {  	s3 =	sld [smem:$0x3FFE];
	_ =	sdelay $0x1  }
0x8a: {  	s1 =	srdreg.scid  }
0x8b: {  	s0 =	sand.u32 $0x1, s1  }
0x8c: {  	s14 =	sshll.u32 s0, $0xA;
	s2 =	sadd.s32 s3, s2  }
0x8d: {  	s2 =	sadd.s32 s2, s14  }
0x8e: {  	[smem:$0x3FC0] =	sst s2  }
0x8f: {  	_ = 	snop  }
0x90: {  	s2 =	sld [smem:$0x3FD0];
	_ =	sdelay $0x2  }
0x91: {  	s15 =	simm.s32 $0xA;
	s4 =	simm.s32 $0x10  }
0x92: {  	[smem:s4], [sflag:s15] =	dma.local [hbm:s2], $0x1  }
0x93: {  	_ =	swait.eq [sflag:s15], $0x1  }
0x94: {  	[sflag:s15] =	ssyncset.done $0x0  }
0x95: {  	[sflag:s15] =	ssyncadd.s32 $0xFFFFFFFF  }
0x96: {  	s16 =	sld [smem:$0x11];
	(tm) =	ssettm $0x1  }
0x97: {  	s17 =	sld [smem:$0x3FFB];
	_ =	sdelay $0x3  }
0x98: {  	_ =	strace s17  }
0x99: {  	s3 =	sld [smem:$0x3FFC];
	_ =	sdelay $0x3  }
0x9a: {  	_ =	strace s3  }
0x9b: {  	s3 =	sld [smem:$0x3FFD];
	_ =	sdelay $0x3  }
0x9c: {  	_ =	strace s3  }
0x9d: {  	_ =	strace $0x8FFFFFFF  }
0x9e: {  	s18 =	sld [smem:$0x3FDB];
	_ =	sdelay $0x1  }
0x9f: {  	s19 =	simm.s32 $_scs_section_size  }
0xa0: {  	s5 =	simm.s32 $_size__tile_overlayer_lowered;
	s6 =	simm.s32 $_tile_overlayer_lowered  }
0xa1: {  	s22 =	simm.s32 $0x1BFF;
	s21 =	sshll.u32 s6, $0x1;
	s3 =	sadd.s32 s19, s18  }
0xa2: {  	s7 =	simm.s32 $0x0;
	s20 =	sshll.u32 s5, $0x1;
	s5 =	sadd.s32 s21, s3  }
0xa3: {  	[timem:s7], [sflag:s22] =	dma.local [hbm:s5], s20  }
0xa4: {  	_ =	swait.ge [sflag:s22], s20  }
0xa5: {  	s4 =	ssub.s32 $0x0, s20;
	[sflag:s22] =	ssyncset.done $0x0  }
0xa6: {  	[sflag:s22] =	ssyncadd.s32 s4;
	_ =	sdelay $0x1  }
0xa7: {  	s23 =	simm.s32 $0x1B8B  }
0xa8: {  	_ =	swait.ge [sflag:s23], $0x1  }
0xa9: {  	[sflag:s23] =	ssyncset.done $0x0  }
0xaa: {  	s25 =	simm.s32 $0x1B8E;
	s24 =	sld [smem:$0x3FFE];
	[sflag:s23] =	ssyncadd.s32 $0xFFFFFFFF  }
0xab: {  	s26 =	simm.s32 $execute0_lowered;
	[smem:$0x3FD2] =	sst s25  }
0xac: {  	s5 =	sshll.u32 s26, $0x1;
	_ =	strace $0x80000046;
	[dreg:$0x1] =	wrdreg $0xFFFFFFFF  }
0xad: {  	s28 =	simm.s32 $_size_execute0_lowered;
	s3 =	sadd.s32 s3, s5;
	[dreg:$0x0] =	wrdreg $0x0  }
0xae: {  	s5 =	sshll.u32 s28, $0x1;
	[dreg:$0x2] =	wrdreg s3  }
0xaf: {  	[dreg:$0x3] =	wrdreg s5  }
0xb0: {  	[dreg:$0x4] =	wrdreg $0xC0  }
0xb1: {  	_ =	task [dreg:s7], $0x5FFFF  }
0xb2: {  	[dreg:$0x1] =	wrdreg $0xFFFFFFFF  }
0xb3: {  	[dreg:$0x0] =	wrdreg $0x60  }
0xb4: {  	[dreg:$0x2] =	wrdreg s24  }
0xb5: {  	[dreg:$0x3] =	wrdreg s16  }
0xb6: {  	[dreg:$0x4] =	wrdreg $0x0  }
0xb7: {  	[dreg:$0x5] =	wrdreg $0x2780  }
0xb8: {  	[dreg:$0x6] =	wrdreg $0x9  }
0xb9: {  	_ =	task.clear_ibuf [dreg:s7], $0x7FFFF;
	_ =	strace $0x90000046  }
0xba: {  	s29 =	simm.s32 $0x9;
	_ =	strace $0x80000048  }
0xbb: {  	_ =	swait.ge [sflag:s29], $0x1  }
0xbc: {  	[sflag:s29] =	ssyncadd.s32 $0xFFFFFFFF  }
0xbd: {  	_ =	strace $0x90000048  }
0xbe: {  	_ =	sfence  }
0xbf: {  	s30 =	sld [smem:$0x0];
	_ =	sdelay $0x2  }
0xc0: {  	s31 =	sshll.u32 s1, $0xD;
	s1 =	sshrl.u32 s1, $0x2  }
0xc1: {  	s3 =	sand.u32 $0x4000, s31;
	s1 =	sadd.s32 s1, s30  }
0xc2: {  	s0 =	sor.u32 s3, s0;
	s1 =	sshll.u32 s1, $0x11  }
0xc3: {  	s0 =	sor.u32 s1, s0  }
0xc4: {  	s0 =	sadd.s32 $0x8F2B, s0  }
0xc5: {  	[sflag:s0] =	ssyncadd.remote.s32 $0x1  }
0xc6: {  	_ =	sfence.sel $0xFFFF  }
0xc7: {  	[dreg:$0x0] =	wrdreg $0xFFFFFFFF;
	(pc) =	sbr.abs _section_cstart, $3  }
0xc8: {  	[dreg:$0x1] =	wrdreg $0xFFFFFFFF  }
0xc9: {  	_ =	task.clear_ibuf [dreg:s7], $0x2FFFF;
	_ =	strace $0x9FFFFFFF  }
0xca: {  	(tm) =	ssettm $0x7FFFFFFF  }
0xcb: {  	_ =	shalt  }
tec
execute0_lowered:
.L_overlay_start_1:
0x0: {  	(tag) =	ssettag $0x1  }
0x1: {  	s6 =	rddreg [dreg:$0x0]  }
0x2: {  	s8 =	rddreg [dreg:$0x1]  }
0x3: {  	s1 =	rddreg [dreg:$0x2]  }
0x4: {  	s3 =	rddreg [dreg:$0x3]  }
0x5: {  	s0 =	rddreg [dreg:$0x4]  }
0x6: {  	s5 =	srdreg.scid;
	s4 =	simm.s32 $0x0;
	s2 =	stileid.u32  }
0x7: {  	s12 =	simm.s32 $0x1C42;
	s13 =	simm.s32 $0x2;
	s14 =	simm.s32 $0x4F0  }
0x8: {  	s15 =	simm.s32 $0x44F0;
	s16 =	simm.s32 $0x50;
	s17 =	simm.s32 $0x84F0  }
0x9: {  	s18 =	simm.s32 $0x1;
	s19 =	simm.s32 $0x42F0;
	s20 =	simm.s32 $0x82F0  }
0xa: {  	s23 =	simm.s32 $0x1C02;
	s5 =	sand.u32 $0x1, s5;
	[smem:$0x7FF] =	sst s4  }
0xb: {  	s9 =	sshll.u32 s2, $0xB;
	p0 =	sne.s32 s2, $0x0;
	p1 =	seq.s32 s2, $0x1  }
0xc: {  	s22 =	sshrl.u32 s1, $0x3;
	s7 =	sshll.u32 s5, $0xF;
	_ =	strace $0x80000047  }
0xd: {  	s30 =	sshll.u32 s5, $0x4;
	s10 =	ssub.s32 $0x2, s5;
	s5 =	sadd.s32 $0x21C00, s6  }
0xe: {  	s21 =	sshrl.u32 @!p0 s1, $0x3;
	s7 =	sor.u32 s9, s7;
	s11 =	sadd.s32 s30, s6  }
0xf: {  	s31 =	sshrl.u32 s10, $0x1;
	s8 =	sadd.s32 s8, s30;
	s7 =	sadd.s32 s7, s6  }
0x10: {  	s10 =	ssub.s32 s10, s31;
	s9 =	sadd.s32 $0x22200, s11;
	s11 =	sshrl.u32 s3, $0x3  }
0x11: {  	v0 =	vimm.f32 $1.000000000e+00;
	s6 =	sadd.s32 $0x11C00, s7;
	s7 =	sadd.s32 $0x1C00, s7;
	s10 =	smax.u32 s10, $0x1  }
.LBB2_1:
.Ltmp0:
0x12: {  	[tilespmem:$0x84F0] =	vst v0;
	(pc) =	sbr.rel @p1 .LBB2_4-.Ltmp0, $4  }
0x13: {  	[tilespmem:$0x8500] =	vst v0  }
0x14: {  	[tilespmem:$0x8510] =	vst v0  }
0x15: {  	[tilespmem:$0x8520] =	vst v0  }
0x16: {  	[tilespmem:$0x8530] =	vst v0  }
.Ltmp1:
0x17: {  	(pc) =	sbr.rel @p0 .LBB2_6-.Ltmp1, $2  }
0x18: {  	_ =	sdelay $0x2  }
0x19: {  	p2 =	por $0x0, $0x0  }
.Ltmp2:
0x1a: {  	(pc) =	sbr.rel .LBB2_5-.Ltmp2, $2  }
0x1b: {  	_ =	sdelay $0x2  }
0x1c: {  	[spmem:s22], [sflag:s23] =	dma.local [hbm:s5], $0x4F0  }
.LBB2_4:
0x1d: {  	[spmem:s11], [sflag:s12] =	dma.local [hbm:s5], $0x4F0  }
.LBB2_5:
0x1e: {  	_ =	swait.ge [sflag:s13], $0x4F0  }
0x1f: {  	[sflag:s13] =	ssyncset.done $0x0  }
0x20: {  	p2 =	por p0, p0;
	[sflag:s13] =	ssyncadd.s32 $0xFFFFFB10  }
.LBB2_6:
0x21: {  	s24 =	simm.s32 $0x0  }
0x22: {  	[tilespmem:s14], [sflag:$0x2] =	stream.linear.gather [hbm4b:s6+s24], $0x3E80, $0x38;
	[tilespmem:$0x8570] =	vst v63  }
0x23: {  	_ =	swait.ge [sflag:s13], $0x3E80  }
0x24: {  	[sflag:s13] =	ssyncset.done $0x0  }
0x25: {  	[sflag:s13] =	ssyncadd.s32 $0xFFFFC180  }
0x26: {  	[tilespmem:s15], [sflag:$0x2] =	stream.linear.gather [hbm4b:s7+s24], $0x3E80, $0x38;
	[tilespmem:$0x8570] =	vst v63  }
0x27: {  	_ =	swait.ge [sflag:s13], $0x3E80  }
0x28: {  	[sflag:s13] =	ssyncset.done $0x0  }
0x29: {  	[sflag:s13] =	ssyncadd.s32 $0xFFFFC180  }
0x2a: {  	s29 =	simm.s32 $0x4F0;
	[bflag:$0x0] =	sbarrier.arrive $0xFFFF  }
0x2b: {  	[spmem:s1] =	stream.indirect.scatter.add.f32 [tilespmem:s17], [sflag:$0x1], $0x1, s29, s16, $0xb8;
	[tilespmem:$0x8570] =	vst v63  }
0x2c: {  	s30 =	simm.s32 $0x44F0  }
0x2d: {  	[spmem:s3] =	stream.indirect.scatter.add.f32 [tilespmem:s17], [sflag:$0x1], $0x1, s30, s16, $0xb8;
	[tilespmem:$0x8570] =	vst v63  }
0x2e: {  	s31 =	simm.s32 $0x570  }
0x2f: {  	[spmem:s1] =	stream.indirect.scatter.add.f32 [tilespmem:s17], [sflag:$0x1], $0x1, s31, s16, $0xb8;
	[tilespmem:$0x8570] =	vst v63  }
0x30: {  	s25 =	simm.s32 $0x4570  }
0x31: {  	[spmem:s3] =	stream.indirect.scatter.add.f32 [tilespmem:s17], [sflag:$0x1], $0x1, s25, s16, $0xb8;
	[tilespmem:$0x8570] =	vst v63  }
0x32: {  	s26 =	simm.s32 $0x5F0  }
0x33: {  	[spmem:s1] =	stream.indirect.scatter.add.f32 [tilespmem:s17], [sflag:$0x1], $0x1, s26, s16, $0xb8;
	[tilespmem:$0x8570] =	vst v63  }
0x34: {  	s29 =	simm.s32 $0x45F0  }
0x35: {  	[spmem:s3] =	stream.indirect.scatter.add.f32 [tilespmem:s17], [sflag:$0x1], $0x1, s29, s16, $0xb8;
	[tilespmem:$0x8570] =	vst v63  }
0x36: {  	s30 =	simm.s32 $0x670  }
0x37: {  	[spmem:s1] =	stream.indirect.scatter.add.f32 [tilespmem:s17], [sflag:$0x1], $0x1, s30, s16, $0xb8;
	[tilespmem:$0x8570] =	vst v63  }
0x38: {  	s31 =	simm.s32 $0x4670  }
0x39: {  	[spmem:s3] =	stream.indirect.scatter.add.f32 [tilespmem:s17], [sflag:$0x1], $0x1, s31, s16, $0xb8;
	[tilespmem:$0x8570] =	vst v63  }
0x3a: {  	_ =	swait.ge [sflag:s18], $0x50  }
0x3b: {  	[sflag:s18] =	ssyncset.done $0x0  }
0x3c: {  	[sflag:s18] =	ssyncadd.s32 $0xFFFFFFB0  }
0x3d: {  	_ =	swait.ge [sflag:s18], $0x50  }
0x3e: {  	[sflag:s18] =	ssyncset.done $0x0  }
0x3f: {  	[sflag:s18] =	ssyncadd.s32 $0xFFFFFFB0  }
0x40: {  	_ =	swait.ge [sflag:s18], $0x50  }
0x41: {  	[sflag:s18] =	ssyncset.done $0x0  }
0x42: {  	[sflag:s18] =	ssyncadd.s32 $0xFFFFFFB0  }
0x43: {  	_ =	swait.ge [sflag:s18], $0x50  }
0x44: {  	[sflag:s18] =	ssyncset.done $0x0  }
0x45: {  	[sflag:s18] =	ssyncadd.s32 $0xFFFFFFB0  }
0x46: {  	_ =	swait.ge [sflag:s18], $0x50  }
0x47: {  	[sflag:s18] =	ssyncset.done $0x0  }
0x48: {  	[sflag:s18] =	ssyncadd.s32 $0xFFFFFFB0  }
0x49: {  	_ =	swait.ge [sflag:s18], $0x50  }
0x4a: {  	[sflag:s18] =	ssyncset.done $0x0  }
0x4b: {  	[sflag:s18] =	ssyncadd.s32 $0xFFFFFFB0  }
0x4c: {  	_ =	swait.ge [sflag:s18], $0x50  }
0x4d: {  	[sflag:s18] =	ssyncset.done $0x0  }
0x4e: {  	[sflag:s18] =	ssyncadd.s32 $0xFFFFFFB0  }
0x4f: {  	_ =	swait.ge [sflag:s18], $0x50  }
0x50: {  	s28 =	simm.s32 $0x1000;
	s26 =	simm.s32 $0x200;
	[sflag:s18] =	ssyncset.done $0x0  }
.LBB2_7:
0x51: {  	s29 =	sadd.s32 $0x4F0, s26  }
0x52: {  	[sflag:s18] =	ssyncadd.s32 $0xFFFFFFB0;
	s25 =	smov.u32 s28;
	s24 =	sadd.s32 $0x800, s28  }
0x53: {  	[spmem:s1] =	stream.indirect.scatter.add.f32 [tilespmem:s17], [sflag:$0x1], $0x1, s29, s16, $0xb8;
	[tilespmem:$0x8570] =	vst v63  }
0x54: {  	p3 =	sne.s32 s28, $0xF000;
	s28 =	sadd.s32 $0x44F0, s26  }
0x55: {  	[spmem:s3] =	stream.indirect.scatter.add.f32 [tilespmem:s17], [sflag:$0x1], $0x1, s28, s16, $0xb8;
	[tilespmem:$0x8570] =	vst v63  }
0x56: {  	s28 =	sadd.s32 $0x570, s26  }
0x57: {  	[spmem:s1] =	stream.indirect.scatter.add.f32 [tilespmem:s17], [sflag:$0x1], $0x1, s28, s16, $0xb8;
	[tilespmem:$0x8570] =	vst v63  }
0x58: {  	s28 =	sadd.s32 $0x4570, s26  }
0x59: {  	[spmem:s3] =	stream.indirect.scatter.add.f32 [tilespmem:s17], [sflag:$0x1], $0x1, s28, s16, $0xb8;
	[tilespmem:$0x8570] =	vst v63  }
0x5a: {  	s28 =	sadd.s32 $0x5F0, s26  }
0x5b: {  	[spmem:s1] =	stream.indirect.scatter.add.f32 [tilespmem:s17], [sflag:$0x1], $0x1, s28, s16, $0xb8;
	[tilespmem:$0x8570] =	vst v63  }
0x5c: {  	s28 =	sadd.s32 $0x45F0, s26  }
0x5d: {  	[spmem:s3] =	stream.indirect.scatter.add.f32 [tilespmem:s17], [sflag:$0x1], $0x1, s28, s16, $0xb8;
	[tilespmem:$0x8570] =	vst v63  }
0x5e: {  	s28 =	sadd.s32 $0x670, s26  }
0x5f: {  	[spmem:s1] =	stream.indirect.scatter.add.f32 [tilespmem:s17], [sflag:$0x1], $0x1, s28, s16, $0xb8;
	[tilespmem:$0x8570] =	vst v63  }
0x60: {  	s26 =	sadd.s32 $0x4670, s26  }
0x61: {  	[spmem:s3] =	stream.indirect.scatter.add.f32 [tilespmem:s17], [sflag:$0x1], $0x1, s26, s16, $0xb8;
	[tilespmem:$0x8570] =	vst v63  }
0x62: {  	_ =	swait.ge [sflag:s18], $0x50  }
0x63: {  	[sflag:s18] =	ssyncset.done $0x0  }
0x64: {  	[sflag:s18] =	ssyncadd.s32 $0xFFFFFFB0  }
0x65: {  	_ =	swait.ge [sflag:s18], $0x50  }
0x66: {  	[sflag:s18] =	ssyncset.done $0x0  }
0x67: {  	[sflag:s18] =	ssyncadd.s32 $0xFFFFFFB0  }
0x68: {  	_ =	swait.ge [sflag:s18], $0x50  }
0x69: {  	[sflag:s18] =	ssyncset.done $0x0  }
0x6a: {  	[sflag:s18] =	ssyncadd.s32 $0xFFFFFFB0  }
0x6b: {  	_ =	swait.ge [sflag:s18], $0x50  }
0x6c: {  	[sflag:s18] =	ssyncset.done $0x0  }
0x6d: {  	[sflag:s18] =	ssyncadd.s32 $0xFFFFFFB0  }
0x6e: {  	_ =	swait.ge [sflag:s18], $0x50  }
0x6f: {  	[sflag:s18] =	ssyncset.done $0x0  }
0x70: {  	[sflag:s18] =	ssyncadd.s32 $0xFFFFFFB0  }
0x71: {  	_ =	swait.ge [sflag:s18], $0x50  }
0x72: {  	[sflag:s18] =	ssyncset.done $0x0  }
0x73: {  	[sflag:s18] =	ssyncadd.s32 $0xFFFFFFB0  }
.Ltmp3:
0x74: {  	_ =	swait.ge [sflag:s18], $0x50;
	(pc) =	sbr.rel @p3 .LBB2_7-.Ltmp3, $4  }
0x75: {  	[sflag:s18] =	ssyncset.done $0x0  }
0x76: {  	[sflag:s18] =	ssyncadd.s32 $0xFFFFFFB0  }
0x77: {  	_ =	swait.ge [sflag:s18], $0x50  }
0x78: {  	s28 =	smov.u32 s24;
	s26 =	sshra.s32 s25, $0x2;
	[sflag:s18] =	ssyncset.done $0x0  }
0x79: {  	s24 =	sadd.s32 $0x4F0, s26;
	[sflag:s18] =	ssyncadd.s32 $0xFFFFFFB0  }
0x7a: {  	[spmem:s1] =	stream.indirect.scatter.add.f32 [tilespmem:s17], [sflag:$0x1], $0x1, s24, s16, $0xb8;
	[tilespmem:$0x8570] =	vst v63  }
0x7b: {  	s30 =	sadd.s32 $0x44F0, s26  }
0x7c: {  	[spmem:s3] =	stream.indirect.scatter.add.f32 [tilespmem:s17], [sflag:$0x1], $0x1, s30, s16, $0xb8;
	[tilespmem:$0x8570] =	vst v63  }
0x7d: {  	s31 =	sadd.s32 $0x570, s26  }
0x7e: {  	[spmem:s1] =	stream.indirect.scatter.add.f32 [tilespmem:s17], [sflag:$0x1], $0x1, s31, s16, $0xb8;
	[tilespmem:$0x8570] =	vst v63  }
0x7f: {  	s25 =	sadd.s32 $0x4570, s26  }
0x80: {  	[spmem:s3] =	stream.indirect.scatter.add.f32 [tilespmem:s17], [sflag:$0x1], $0x1, s25, s16, $0xb8;
	[tilespmem:$0x8570] =	vst v63  }
0x81: {  	s28 =	sadd.s32 $0x5F0, s26  }
0x82: {  	[spmem:s1] =	stream.indirect.scatter.add.f32 [tilespmem:s17], [sflag:$0x1], $0x1, s28, s16, $0xb8;
	[tilespmem:$0x8570] =	vst v63  }
0x83: {  	s29 =	sadd.s32 $0x45F0, s26  }
0x84: {  	[spmem:s3] =	stream.indirect.scatter.add.f32 [tilespmem:s17], [sflag:$0x1], $0x1, s29, s16, $0xb8;
	[tilespmem:$0x8570] =	vst v63  }
0x85: {  	s30 =	sadd.s32 $0x670, s26  }
0x86: {  	[spmem:s1] =	stream.indirect.scatter.add.f32 [tilespmem:s17], [sflag:$0x1], $0x1, s30, s16, $0xb8;
	[tilespmem:$0x8570] =	vst v63  }
0x87: {  	s31 =	sadd.s32 $0x4670, s26  }
0x88: {  	[spmem:s3] =	stream.indirect.scatter.add.f32 [tilespmem:s17], [sflag:$0x1], $0x1, s31, s16, $0xb8;
	[tilespmem:$0x8570] =	vst v63  }
0x89: {  	_ =	swait.ge [sflag:s18], $0x50  }
0x8a: {  	[sflag:s18] =	ssyncset.done $0x0  }
0x8b: {  	[sflag:s18] =	ssyncadd.s32 $0xFFFFFFB0  }
0x8c: {  	_ =	swait.ge [sflag:s18], $0x50  }
0x8d: {  	[sflag:s18] =	ssyncset.done $0x0  }
0x8e: {  	[sflag:s18] =	ssyncadd.s32 $0xFFFFFFB0  }
0x8f: {  	_ =	swait.ge [sflag:s18], $0x50  }
0x90: {  	[sflag:s18] =	ssyncset.done $0x0  }
0x91: {  	[sflag:s18] =	ssyncadd.s32 $0xFFFFFFB0  }
0x92: {  	_ =	swait.ge [sflag:s18], $0x50  }
0x93: {  	[sflag:s18] =	ssyncset.done $0x0  }
0x94: {  	[sflag:s18] =	ssyncadd.s32 $0xFFFFFFB0  }
0x95: {  	_ =	swait.ge [sflag:s18], $0x50  }
0x96: {  	[sflag:s18] =	ssyncset.done $0x0  }
0x97: {  	[sflag:s18] =	ssyncadd.s32 $0xFFFFFFB0  }
0x98: {  	_ =	swait.ge [sflag:s18], $0x50  }
0x99: {  	[sflag:s18] =	ssyncset.done $0x0  }
0x9a: {  	[sflag:s18] =	ssyncadd.s32 $0xFFFFFFB0  }
0x9b: {  	_ =	swait.ge [sflag:s18], $0x50  }
0x9c: {  	[sflag:s18] =	ssyncset.done $0x0  }
0x9d: {  	[sflag:s18] =	ssyncadd.s32 $0xFFFFFFB0  }
0x9e: {  	_ =	swait.ge [sflag:s18], $0x50  }
0x9f: {  	[sflag:s18] =	ssyncset.done $0x0  }
0xa0: {  	[sflag:s18] =	ssyncadd.s32 $0xFFFFFFB0  }
0xa1: {  	[spmem:s1] =	stream.indirect.scatter.add.f32 [tilespmem:s17], [sflag:$0x2], $0x1, s19, s16, $0xb8;
	[tilespmem:$0x8570] =	vst v63  }
0xa2: {  	_ =	swait.ge [sflag:s13], $0x50  }
0xa3: {  	[sflag:s13] =	ssyncset.done $0x0  }
0xa4: {  	[sflag:s13] =	ssyncadd.s32 $0xFFFFFFB0  }
0xa5: {  	[spmem:s3] =	stream.indirect.scatter.add.f32 [tilespmem:s17], [sflag:$0x2], $0x1, s20, s16, $0xb8;
	[tilespmem:$0x8570] =	vst v63  }
0xa6: {  	_ =	swait.ge [sflag:s13], $0x50  }
0xa7: {  	s4 =	sadd.s32 $0x1, s4;
	[sflag:s13] =	ssyncset.done $0x0  }
0xa8: {  	s24 =	simm.s32 @!p0 $0x1;
	s26 =	simm.s32 @!p0 $0x10;
	[sflag:s13] =	ssyncadd.s32 $0xFFFFFFB0  }
0xa9: {  	s25 =	simm.s32 @!p0 $0x20;
	s28 =	simm.s32 @!p0 $0x1C02;
	[bflag:$0x0] =	sbarrier.arrive $0xFFFF  }
0xaa: {  	[hbm:s8@s25], [sflag:s28] =	dma.strided @!p0 [spmem:s21@s26], $0x4F0, s24, $0x10   }
0xab: {  	p3 =	sne.s32 s4, s10;
	s24 =	simm.s32 @!p0 $0x2  }
0xac: {  	s29 =	simm.s32 @p2 $0x10;
	s25 =	sshll.u32 @p2 s2, $0x6;
	_ =	swait.ge @!p0 [sflag:s24], $0x4F0  }
0xad: {  	s26 =	simm.s32 @p2 $0x1;
	s28 =	simm.s32 @p2 $0x20;
	[sflag:s24] =	ssyncset.done @!p0 $0x0  }
0xae: {  	[sflag:s24] =	ssyncadd.s32 @!p0 $0xFFFFFB10;
	s24 =	sor.u32 @p2 $0x1C02, s25;
	s25 =	sshrl.u32 @p2 s3, $0x3  }
0xaf: {  	[hbm:s9@s28], [sflag:s24] =	dma.strided @p2 [spmem:s25@s29], $0x4F0, s26, $0x10   }
.Ltmp4:
0xb0: {  	_ = 	snop;
	(pc) =	sbr.rel @p3 .LBB2_1-.Ltmp4, $4  }
0xb1: {  	s24 =	simm.s32 @p2 $0x2  }
0xb2: {  	_ =	swait.ge @p2 [sflag:s24], $0x4F0  }
0xb3: {  	[sflag:s24] =	ssyncset.done @p2 $0x0  }
0xb4: {  	[sflag:s24] =	ssyncadd.s32 @p2 $0xFFFFFB10  }
0xb5: {  	_ =	sfence.sel $0x180000  }
0xb6: {  	[bflag:$0x0] =	sbarrier.arrive $0xFFFF  }
0xb7: {  	p0 =	sne.s32 s2, $0x0;
	_ =	strace $0x90000047  }
0xb8: {  	s0 =	sadd.s32 @!p0 $0x100000, s0;
	[bflag:$0x2] =	sbarrier.arrive $0xFFFF  }
0xb9: {  	[sflag:s0] =	ssyncadd.tile.s32 @!p0 $0x1;
	_ =	shalt  }
.Lfunc_end2:
_tile_overlayer_lowered:
.L_overlay_start_2:
0xba: {  	(tag) =	ssettag $0x2  }
0xbb: {  	s0 =	rddreg [dreg:$0x0];
	s2 =	stileid.u32  }
0xbc: {  	s1 =	rddreg [dreg:$0x1];
	p0 =	sne.s32 s2, $0x0  }
0xbd: {  	s3 =	rddreg [dreg:$0x2];
	[bflag:$0x3] =	sbarrier.arrive $0xFFFF;
	s2 =	simm.s32 @!p0 $0x1C02  }
0xbe: {  	[timem:s3], [sflag:s2] =	dma.local @!p0 [hbm:s0], s1  }
0xbf: {  	s0 =	simm.s32 @!p0 $0x2  }
0xc0: {  	_ =	swait.ge @!p0 [sflag:s0], s1  }
0xc1: {  	s1 =	ssub.s32 @!p0 $0x0, s1;
	[sflag:s0] =	ssyncset.done @!p0 $0x0  }
0xc2: {  	[sflag:s0] =	ssyncadd.s32 @!p0 s1  }
0xc3: {  	[bflag:$0x3] =	sbarrier.arrive $0xFFFF  }
0xc4: {  	_ =	shalt  }

// kernel: kernel.9.cloned.1.call-start
scs
__scs_entry_jumppad:
0x0: {  	(pc) =	sbr.rel $0x88, $3  }
0x1: {  	(tag) =	ssettag $0x0;
	lr =	simm.s32 $0x1  }
0x2: {  	[smem:$0x3F99] =	sst lr;
	_ =	strace $0xD0000000  }
0x3: {  	_ = 	snop  }
0x4: {  	_ = 	snop  }
0x5: {  	_ = 	snop  }
0x6: {  	_ = 	snop  }
0x7: {  	_ = 	snop  }
__scs_overlays_trampoline_lowered:
0x8: {  	[smem:$0x3FA8] =	sst s0  }
0x9: {  	[smem:$0x3FA9] =	sst s1  }
0xa: {  	[smem:$0x3FAA] =	sst s2  }
0xb: {  	[smem:$0x3FAB] =	sst s3  }
0xc: {  	[smem:$0x3FAC] =	sst s4  }
0xd: {  	[smem:$0x3FAD] =	sst s5  }
0xe: {  	[smem:$0x3FAE] =	sst s6  }
0xf: {  	[smem:$0x3FAF] =	sst s7  }
0x10: {  	[smem:$0x3FB0] =	sst s8  }
0x11: {  	[smem:$0x3FB1] =	sst s9;
	s0 =	simm.s32 @!p0 $0x0  }
0x12: {  	s1 =	sld [smem:$0x3F97];
	s0 =	simm.s32 @p0 $0x1  }
0x13: {  	[smem:$0x3FB2] =	sst s0;
	s0 =	simm.s32 @!p1 $0x0  }
0x14: {  	s2 =	sld [smem:$0x3F96];
	s0 =	simm.s32 @p1 $0x1  }
0x15: {  	[smem:$0x3FB3] =	sst s0;
	s0 =	simm.s32 @!p2 $0x0  }
0x16: {  	s3 =	sld [smem:$0x3FDB];
	s0 =	simm.s32 @p2 $0x1  }
0x17: {  	s4 =	simm.s32 $0x1BF5;
	[smem:$0x3FB5] =	sst s0  }
0x18: {  	s0 =	sld [smem:$0x3F98];
	_ =	swait.ge [sflag:s4], $0x0  }
0x19: {  	s7 =	sld [smem:$0x3F99]  }
0x1a: {  	s8 =	sadd.s32 $0xFFFFE003, lr  }
0x1b: {  	s9 =	sadd.s32 $0xFFFFFEF7, lr;
	s5 =	simm.s32 $0xFFFFFFFF;
	p2 =	slt.u32 s8, $0xFFFFF086  }
0x1c: {  	p1 =	slt.u32 s9, $0xF7A;
	s5 =	simm.s32 @!p2 $0x0  }
0x1d: {  	s5 =	simm.s32 @p1 $0x1;
	p0 =	seq.s32 s7, s2  }
0x1e: {  	s7 =	smul.u32 @!p0 $0xF7A, s2;
	p2 =	seq.s32 @!p0 s5, $0x0  }
0x1f: {  	s9 =	smul.u32 $0xF7A, s1;
	s8 =	simm.s32 @!p0 $0x1BF5;
	p2 =	por !p2, p0  }
0x20: {  	[sflag:s8] =	ssyncset.s32 @!p0 $0xFFFFF086;
	s6 =	sadd.s32 @!p0 s3, s7;
	s7 =	simm.s32 @!p0 $0x108  }
0x21: {  	s3 =	sadd.s32 s3, s9;
	s6 =	sadd.s32 @!p0 $0x88, s6;
	s7 =	simm.s32 @p2 $0x1082  }
0x22: {  	[simem:s7], [sflag:s8] =	dma.local @!p0 [hbm:s6], $0xF7A  }
0x23: {  	s9 =	sor.u32 $0xD0000000, s2;
	s6 =	simm.s32 $0x108;
	_ =	swait.ge @!p0 [sflag:s8], $0x0  }
0x24: {  	s3 =	sadd.s32 $0x88, s3;
	s6 =	simm.s32 @!p1 $0x1082;
	[sflag:s4] =	ssyncset.s32 $0xFFFFF086  }
0x25: {  	[simem:s6], [sflag:s4] =	dma.local [hbm:s3], $0xF7A  }
0x26: {  	[smem:$0x3F99] =	sst s1;
	(tag) =	ssettag s2;
	_ =	strace s9  }
0x27: {  	s1 =	sld [smem:$0x3FA9]  }
0x28: {  	s2 =	sld [smem:$0x3FAA]  }
0x29: {  	s4 =	sld [smem:$0x3FAC]  }
0x2a: {  	p0 =	seq.s32 s5, $0x0;
	s5 =	sld [smem:$0x3FAD]  }
0x2b: {  	s6 =	sld [smem:$0x3FAE]  }
0x2c: {  	s7 =	sld [smem:$0x3FAF]  }
0x2d: {  	s3 =	simm.s32 $0x108;
	s8 =	sld [smem:$0x3FB0]  }
0x2e: {  	s3 =	simm.s32 @!p0 $0x1082;
	s9 =	sld [smem:$0x3FB1]  }
0x2f: {  	lr =	sadd.s32 s0, s3;
	s0 =	sld [smem:$0x3FA8]  }
0x30: {  	s3 =	sld [smem:$0x3FAB]  }
0x31: {  	[smem:$0x3FB4] =	sst s10  }
0x32: {  	s10 =	sld [smem:$0x3FB2];
	_ =	sdelay $0x3  }
0x33: {  	p0 =	seq.s32 s10, $0x1;
	s10 =	sld [smem:$0x3FB4];
	_ =	sdelay $0x3  }
0x34: {  	[smem:$0x3FB4] =	sst s10  }
0x35: {  	s10 =	sld [smem:$0x3FB3];
	_ =	sdelay $0x3  }
0x36: {  	p1 =	seq.s32 s10, $0x1;
	s10 =	sld [smem:$0x3FB4];
	_ =	sdelay $0x3  }
0x37: {  	[smem:$0x3FB4] =	sst s10  }
0x38: {  	s10 =	sld [smem:$0x3FB5]  }
0x39: {  	_ = 	snop;
	(pc) =	sbr.ind lr, $3  }
0x3a: {  	_ = 	snop  }
0x3b: {  	_ = 	snop  }
0x3c: {  	p2 =	seq.s32 s10, $0x1;
	s10 =	sld [smem:$0x3FB4]  }
0x3d: {  	_ =	shalt  }
0x3e: {  	_ =	shalt  }
0x3f: {  	_ =	shalt  }
0x40: {  	_ =	shalt  }
0x41: {  	_ =	shalt  }
0x42: {  	_ =	shalt  }
0x43: {  	_ =	shalt  }
0x44: {  	_ =	shalt  }
0x45: {  	_ =	shalt  }
0x46: {  	_ =	shalt  }
0x47: {  	_ =	shalt  }
0x48: {  	_ =	shalt  }
0x49: {  	_ =	shalt  }
0x4a: {  	_ =	shalt  }
0x4b: {  	_ =	shalt  }
0x4c: {  	_ =	shalt  }
0x4d: {  	_ =	shalt  }
0x4e: {  	_ =	shalt  }
0x4f: {  	_ =	shalt  }
0x50: {  	_ =	shalt  }
0x51: {  	_ =	shalt  }
0x52: {  	_ =	shalt  }
0x53: {  	_ =	shalt  }
0x54: {  	_ =	shalt  }
0x55: {  	_ =	shalt  }
0x56: {  	_ =	shalt  }
0x57: {  	_ =	shalt  }
0x58: {  	_ =	shalt  }
0x59: {  	_ =	shalt  }
0x5a: {  	_ =	shalt  }
0x5b: {  	_ =	shalt  }
0x5c: {  	_ =	shalt  }
0x5d: {  	_ =	shalt  }
0x5e: {  	_ =	shalt  }
0x5f: {  	_ =	shalt  }
0x60: {  	_ =	shalt  }
0x61: {  	_ =	shalt  }
0x62: {  	_ =	shalt  }
0x63: {  	_ =	shalt  }
0x64: {  	_ =	shalt  }
0x65: {  	_ =	shalt  }
0x66: {  	_ =	shalt  }
0x67: {  	_ =	shalt  }
0x68: {  	_ =	shalt  }
0x69: {  	_ =	shalt  }
0x6a: {  	_ =	shalt  }
0x6b: {  	_ =	shalt  }
0x6c: {  	_ =	shalt  }
0x6d: {  	_ =	shalt  }
0x6e: {  	_ =	shalt  }
0x6f: {  	_ =	shalt  }
0x70: {  	_ =	shalt  }
0x71: {  	_ =	shalt  }
0x72: {  	_ =	shalt  }
0x73: {  	_ =	shalt  }
0x74: {  	_ =	shalt  }
0x75: {  	_ =	shalt  }
0x76: {  	_ =	shalt  }
0x77: {  	_ =	shalt  }
0x78: {  	_ =	shalt  }
0x79: {  	_ =	shalt  }
0x7a: {  	_ =	shalt  }
0x7b: {  	_ =	shalt  }
0x7c: {  	_ =	shalt  }
0x7d: {  	_ =	shalt  }
0x7e: {  	_ =	shalt  }
0x7f: {  	_ =	shalt  }
0x80: {  	_ =	shalt  }
0x81: {  	_ =	shalt  }
0x82: {  	_ =	shalt  }
0x83: {  	_ =	shalt  }
0x84: {  	_ =	shalt  }
0x85: {  	_ =	shalt  }
0x86: {  	_ =	shalt  }
0x87: {  	_ =	shalt  }
.Lfunc_end0:
.L_simem_size_0:
called_computation.1_lowered:
.L_overlay_start_0:
0x88: {  	s2 =	sld [smem:$0x3FD9]  }
0x89: {  	s3 =	sld [smem:$0x3FFE];
	_ =	sdelay $0x1  }
0x8a: {  	s1 =	srdreg.scid  }
0x8b: {  	s0 =	sand.u32 $0x1, s1  }
0x8c: {  	s14 =	sshll.u32 s0, $0xA;
	s2 =	sadd.s32 s3, s2  }
0x8d: {  	s2 =	sadd.s32 s2, s14  }
0x8e: {  	[smem:$0x3FC0] =	sst s2  }
0x8f: {  	_ = 	snop  }
0x90: {  	s2 =	sld [smem:$0x3FD0];
	_ =	sdelay $0x2  }
0x91: {  	s15 =	simm.s32 $0xA;
	s4 =	simm.s32 $0x10  }
0x92: {  	[smem:s4], [sflag:s15] =	dma.local [hbm:s2], $0x1  }
0x93: {  	_ =	swait.eq [sflag:s15], $0x1  }
0x94: {  	[sflag:s15] =	ssyncset.done $0x0  }
0x95: {  	[sflag:s15] =	ssyncadd.s32 $0xFFFFFFFF  }
0x96: {  	s16 =	sld [smem:$0x11];
	(tm) =	ssettm $0x1  }
0x97: {  	s17 =	sld [smem:$0x3FFB];
	_ =	sdelay $0x3  }
0x98: {  	_ =	strace s17  }
0x99: {  	s3 =	sld [smem:$0x3FFC];
	_ =	sdelay $0x3  }
0x9a: {  	_ =	strace s3  }
0x9b: {  	s3 =	sld [smem:$0x3FFD];
	_ =	sdelay $0x3  }
0x9c: {  	_ =	strace s3  }
0x9d: {  	_ =	strace $0x8FFFFFFF  }
0x9e: {  	s18 =	sld [smem:$0x3FDB];
	_ =	sdelay $0x1  }
0x9f: {  	s19 =	simm.s32 $_scs_section_size  }
0xa0: {  	s5 =	simm.s32 $_size__tile_overlayer_lowered;
	s6 =	simm.s32 $_tile_overlayer_lowered  }
0xa1: {  	s22 =	simm.s32 $0x1BFF;
	s21 =	sshll.u32 s6, $0x1;
	s3 =	sadd.s32 s19, s18  }
0xa2: {  	s7 =	simm.s32 $0x0;
	s20 =	sshll.u32 s5, $0x1;
	s5 =	sadd.s32 s21, s3  }
0xa3: {  	[timem:s7], [sflag:s22] =	dma.local [hbm:s5], s20  }
0xa4: {  	_ =	swait.ge [sflag:s22], s20  }
0xa5: {  	s4 =	ssub.s32 $0x0, s20;
	[sflag:s22] =	ssyncset.done $0x0  }
0xa6: {  	[sflag:s22] =	ssyncadd.s32 s4;
	_ =	sdelay $0x1  }
0xa7: {  	s23 =	simm.s32 $0x1B8B  }
0xa8: {  	_ =	swait.ge [sflag:s23], $0x1  }
0xa9: {  	[sflag:s23] =	ssyncset.done $0x0  }
0xaa: {  	s25 =	simm.s32 $0x1B8E;
	s24 =	sld [smem:$0x3FFE];
	[sflag:s23] =	ssyncadd.s32 $0xFFFFFFFF  }
0xab: {  	s26 =	simm.s32 $execute0_lowered;
	[smem:$0x3FD2] =	sst s25  }
0xac: {  	s5 =	sshll.u32 s26, $0x1;
	_ =	strace $0x80000049;
	[dreg:$0x1] =	wrdreg $0xFFFFFFFF  }
0xad: {  	s28 =	simm.s32 $_size_execute0_lowered;
	s3 =	sadd.s32 s3, s5;
	[dreg:$0x0] =	wrdreg $0x0  }
0xae: {  	s5 =	sshll.u32 s28, $0x1;
	[dreg:$0x2] =	wrdreg s3  }
0xaf: {  	[dreg:$0x3] =	wrdreg s5  }
0xb0: {  	[dreg:$0x4] =	wrdreg $0xC0  }
0xb1: {  	_ =	task [dreg:s7], $0x5FFFF  }
0xb2: {  	[dreg:$0x1] =	wrdreg $0xFFFFFFFF  }
0xb3: {  	[dreg:$0x0] =	wrdreg $0x60  }
0xb4: {  	[dreg:$0x2] =	wrdreg s16  }
0xb5: {  	[dreg:$0x3] =	wrdreg s24  }
0xb6: {  	[dreg:$0x4] =	wrdreg $0x0  }
0xb7: {  	[dreg:$0x5] =	wrdreg $0x9  }
0xb8: {  	_ =	task.clear_ibuf [dreg:s7], $0x6FFFF;
	_ =	strace $0x90000049  }
0xb9: {  	s29 =	simm.s32 $0x9;
	_ =	strace $0x8000004B  }
0xba: {  	_ =	swait.ge [sflag:s29], $0x1  }
0xbb: {  	[sflag:s29] =	ssyncadd.s32 $0xFFFFFFFF  }
0xbc: {  	_ =	strace $0x9000004B  }
0xbd: {  	_ =	sfence  }
0xbe: {  	s30 =	sld [smem:$0x0];
	_ =	sdelay $0x2  }
0xbf: {  	s31 =	sshll.u32 s1, $0xD;
	s1 =	sshrl.u32 s1, $0x2  }
0xc0: {  	s3 =	sand.u32 $0x4000, s31;
	s1 =	sadd.s32 s1, s30  }
0xc1: {  	s0 =	sor.u32 s3, s0;
	s1 =	sshll.u32 s1, $0x11  }
0xc2: {  	s0 =	sor.u32 s1, s0  }
0xc3: {  	s0 =	sadd.s32 $0x8F2B, s0  }
0xc4: {  	[sflag:s0] =	ssyncadd.remote.s32 $0x1  }
0xc5: {  	_ =	sfence.sel $0xFFFF  }
0xc6: {  	[dreg:$0x0] =	wrdreg $0xFFFFFFFF;
	(pc) =	sbr.abs _section_cstart, $3  }
0xc7: {  	[dreg:$0x1] =	wrdreg $0xFFFFFFFF  }
0xc8: {  	_ =	task.clear_ibuf [dreg:s7], $0x2FFFF;
	_ =	strace $0x9FFFFFFF  }
0xc9: {  	(tm) =	ssettm $0x7FFFFFFF  }
tec
execute0_lowered:
.L_overlay_start_1:
0x0: {  	(tag) =	ssettag $0x1  }
0x1: {  	s1 =	rddreg [dreg:$0x0]  }
0x2: {  	s0 =	rddreg [dreg:$0x1]  }
0x3: {  	s3 =	rddreg [dreg:$0x2];
	s2 =	srdreg.scid;
	s4 =	simm.s32 $0x0  }
0x4: {  	s11 =	stileid.u32;
	s20 =	simm.s32 $0x13880;
	s21 =	simm.s32 $0x17880  }
0x5: {  	s22 =	simm.s32 $0x1;
	s23 =	simm.s32 $0x50;
	s24 =	simm.s32 $0x19880  }
0x6: {  	s28 =	simm.s32 $0x2;
	s2 =	sand.u32 $0x1, s2;
	s6 =	smul.u32 $0x240, s11  }
0x7: {  	[smem:$0x7FF] =	sst s4;
	s5 =	sshll.u32 s11, $0xB;
	s7 =	smul.u32 $0x278, s11  }
0x8: {  	p0 =	sgt.u32 s11, $0xD;
	s26 =	sshll.u32 s11, $0x6;
	s11 =	smul.u32 $0x13C00, s11  }
0x9: {  	s25 =	sshll.u32 s2, $0xF;
	_ =	strace $0x8000004A;
	s8 =	ssub.s32 $0x2, s2  }
0xa: {  	s2 =	smul.u32 $0x138800, s2;
	s4 =	sor.u32 s5, s25;
	s5 =	sadd.s32 $0x21C00, s0  }
0xb: {  	s6 =	sadd.s32 $0x310, s6;
	s9 =	sshrl.u32 s8, $0x1;
	s4 =	sadd.s32 s4, s0  }
0xc: {  	s0 =	sadd.s32 $0x22400, s0;
	s7 =	smov.u32 @p0 s6;
	s13 =	ssub.s32 s8, s9  }
0xd: {  	s11 =	sadd.s32 s11, s2;
	s10 =	sshll.u32 s7, $0x7;
	s7 =	sor.u32 $0x1C01, s26  }
0xe: {  	s29 =	sadd.s32 $0x11C00, s4;
	s30 =	sadd.s32 $0x1C00, s4;
	s31 =	sshrl.u32 s11, $0x3  }
0xf: {  	s13 =	smax.u32 s13, $0x1;
	s26 =	simm.s32 $0x1C080;
	[dreg:$0x4] =	wrdreg s29  }
0x10: {  	s6 =	sadd.s32 s10, s3;
	[dreg:$0x5] =	wrdreg s30;
	s2 =	sadd.s32 s2, s10  }
0x11: {  	s10 =	sadd.s32 $0x2000, s4;
	s11 =	sadd.s32 s0, s31;
	s15 =	sadd.s32 $0x4000, s6  }
0x12: {  	s16 =	sadd.s32 $0x8000, s6;
	s17 =	sadd.s32 $0xC000, s6;
	s2 =	sshrl.u32 s2, $0x3  }
0x13: {  	s19 =	sadd.s32 $0x10000, s6;
	s14 =	sshrl.u32 s6, $0x3;
	s12 =	sadd.s32 s0, s2  }
0x14: {  	s15 =	sshrl.u32 s15, $0x3;
	s16 =	sshrl.u32 s16, $0x3;
	s17 =	sshrl.u32 s17, $0x3  }
0x15: {  	s18 =	sshrl.u32 @p0 s19, $0x3;
	s19 =	sshrl.u32 @!p0 s19, $0x3;
	s0 =	simm.s32 $0x0  }
.LBB2_1:
0x16: {  	[spmem:s14], [sflag:s7] =	dma.local [hbm:s5], $0x800  }
0x17: {  	[spmem:s15], [sflag:s7] =	dma.local [hbm:s5], $0x800  }
0x18: {  	[spmem:s16], [sflag:s7] =	dma.local [hbm:s5], $0x800  }
0x19: {  	[spmem:s17], [sflag:s7] =	dma.local [hbm:s5], $0x800  }
0x1a: {  	[spmem:s18], [sflag:s7] =	dma.local @p0 [hbm:s5], $0x400  }
0x1b: {  	[spmem:s19], [sflag:s7] =	dma.local @!p0 [hbm:s5], $0x780  }
0x1c: {  	s2 =	simm.s32 $0x0;
	s4 =	rddreg [dreg:$0x4]  }
0x1d: {  	[tilespmem:s20], [sflag:$0x1] =	stream.linear.gather [hbm4b:s4+s2], $0x3E80, $0x38;
	[tilespmem:$0x1E880] =	vst v63  }
0x1e: {  	s25 =	rddreg [dreg:$0x5]  }
0x1f: {  	[tilespmem:s21], [sflag:$0x1] =	stream.linear.gather [hbm4b:s25+s2], $0x2000, $0x38;
	[tilespmem:$0x1E880] =	vst v63  }
0x20: {  	_ =	swait.ge [sflag:s22], $0x800  }
0x21: {  	[sflag:s22] =	ssyncset.done $0x0  }
0x22: {  	[sflag:s22] =	ssyncadd.s32 $0xFFFFF800  }
0x23: {  	_ =	swait.ge [sflag:s22], $0x800  }
0x24: {  	[sflag:s22] =	ssyncset.done $0x0  }
0x25: {  	[sflag:s22] =	ssyncadd.s32 $0xFFFFF800  }
0x26: {  	_ =	swait.ge [sflag:s22], $0x800  }
0x27: {  	[sflag:s22] =	ssyncset.done $0x0  }
0x28: {  	[sflag:s22] =	ssyncadd.s32 $0xFFFFF800  }
0x29: {  	_ =	swait.ge [sflag:s22], $0x800  }
0x2a: {  	[sflag:s22] =	ssyncset.done $0x0  }
0x2b: {  	s2 =	simm.s32 @p0 $0x1;
	[sflag:s22] =	ssyncadd.s32 $0xFFFFF800  }
0x2c: {  	_ =	swait.ge @p0 [sflag:s2], $0x400  }
0x2d: {  	[sflag:s2] =	ssyncset.done @p0 $0x0  }
0x2e: {  	[sflag:s2] =	ssyncadd.s32 @p0 $0xFFFFFC00;
	s2 =	simm.s32 @!p0 $0x1  }
0x2f: {  	_ =	swait.ge @!p0 [sflag:s2], $0x780  }
0x30: {  	[sflag:s2] =	ssyncset.done @!p0 $0x0  }
0x31: {  	[sflag:s2] =	ssyncadd.s32 @!p0 $0xFFFFF880  }
0x32: {  	_ =	swait.ge [sflag:s22], $0x3E80  }
0x33: {  	[sflag:s22] =	ssyncset.done $0x0  }
0x34: {  	[sflag:s22] =	ssyncadd.s32 $0xFFFFC180  }
0x35: {  	_ =	swait.ge [sflag:s22], $0x2000  }
0x36: {  	[sflag:s22] =	ssyncset.done $0x0  }
0x37: {  	[sflag:s22] =	ssyncadd.s32 $0xFFFFE000  }
0x38: {  	[bflag:$0x0] =	sbarrier.arrive $0xFFFF  }
0x39: {  	[tilespmem:s24], [sflag:$0x1] =	stream.indirect.gather [hbm4b:s1+s23], $0x80, s20, s23, $0xb8;
	[tilespmem:$0x1E880] =	vst v63  }
0x3a: {  	_ =	swait.ge [sflag:s22], $0x2800  }
0x3b: {  	[sflag:s22] =	ssyncset.done $0x0  }
0x3c: {  	[sflag:s22] =	ssyncadd.s32 $0xFFFFD800  }
0x3d: {  	[spmem:s3] =	stream.indirect.scatter.add.f32 [tilespmem:s24], [sflag:$0x2], $0x80, s21, s23, $0xb8;
	[tilespmem:$0x1E880] =	vst v63  }
0x3e: {  	s4 =	simm.s32 $0x13900  }
0x3f: {  	[tilespmem:s26], [sflag:$0x1] =	stream.indirect.gather [hbm4b:s1+s23], $0x80, s4, s23, $0xb8;
	[tilespmem:$0x1E880] =	vst v63  }
0x40: {  	_ =	swait.ge [sflag:s22], $0x2800  }
0x41: {  	[sflag:s22] =	ssyncset.done $0x0  }
0x42: {  	[sflag:s22] =	ssyncadd.s32 $0xFFFFD800  }
0x43: {  	_ =	swait.ge [sflag:s28], $0x2800  }
0x44: {  	[sflag:s28] =	ssyncset.done $0x0  }
0x45: {  	s8 =	simm.s32 $0x17900;
	p1 =	por $0x1, $0x1;
	[sflag:s28] =	ssyncadd.s32 $0xFFFFD800  }
0x46: {  	[spmem:s3] =	stream.indirect.scatter.add.f32 [tilespmem:s26], [sflag:$0x2], $0x80, s8, s23, $0xb8;
	[tilespmem:$0x1E880] =	vst v63  }
0x47: {  	s9 =	simm.s32 $0x13980;
	p1 =	por p1, p1  }
0x48: {  	[tilespmem:s24], [sflag:$0x1] =	stream.indirect.gather [hbm4b:s1+s23], $0x80, s9, s23, $0xb8;
	[tilespmem:$0x1E880] =	vst v63  }
0x49: {  	s25 =	simm.s32 @!p1 $0x17880;
	s2 =	simm.s32 @!p1 $0x3;
	s4 =	simm.s32 @!p1 $0x0  }
0x4a: {  	[tilespmem:s25], [sflag:$0x3] =	stream.linear.gather @!p1 [hbm4b:s10+s4], $0x1E80, $0x38;
	[tilespmem:$0x1E880] =	vst v63  }
0x4b: {  	_ =	swait.ge @!p1 [sflag:s2], $0x1E80  }
0x4c: {  	[sflag:s2] =	ssyncset.done @!p1 $0x0  }
0x4d: {  	[sflag:s2] =	ssyncadd.s32 @!p1 $0xFFFFE180  }
0x4e: {  	_ =	swait.ge [sflag:s22], $0x2800  }
0x4f: {  	s4 =	simm.s32 $0x400;
	[sflag:s22] =	ssyncset.done $0x0  }
0x50: {  	p1 =	por $0x0, $0x0;
	s2 =	simm.s32 $0xFFFF8400;
	[sflag:s22] =	ssyncadd.s32 $0xFFFFD800  }
0x51: {  	s4 =	smov.u32 @p1 s2;
	_ =	swait.ge [sflag:s28], $0x2800  }
0x52: {  	s2 =	sshra.s32 s4, $0x2;
	[sflag:s28] =	ssyncset.done $0x0  }
0x53: {  	s4 =	sadd.s32 $0x17880, s2;
	[sflag:s28] =	ssyncadd.s32 $0xFFFFD800  }
0x54: {  	[spmem:s3] =	stream.indirect.scatter.add.f32 [tilespmem:s24], [sflag:$0x2], $0x80, s4, s23, $0xb8;
	[tilespmem:$0x1E880] =	vst v63  }
0x55: {  	s25 =	simm.s32 $0x13A00  }
0x56: {  	[tilespmem:s26], [sflag:$0x1] =	stream.indirect.gather [hbm4b:s1+s23], $0x80, s25, s23, $0xb8;
	[tilespmem:$0x1E880] =	vst v63  }
0x57: {  	_ =	swait.ge [sflag:s22], $0x2800  }
0x58: {  	[sflag:s22] =	ssyncset.done $0x0  }
0x59: {  	[sflag:s22] =	ssyncadd.s32 $0xFFFFD800  }
0x5a: {  	p6 =	por $0x1, $0x1;
	s29 =	simm.s32 $0x800;
	_ =	swait.ge [sflag:s28], $0x2800  }
0x5b: {  	s30 =	simm.s32 $0x2;
	s31 =	simm.s32 $0x800;
	[sflag:s28] =	ssyncset.done $0x0  }
0x5c: {  	p1 =	por p6, p6;
	s2 =	sadd.s32 $0x17900, s2;
	[sflag:s28] =	ssyncadd.s32 $0xFFFFD800  }
0x5d: {  	[spmem:s3] =	stream.indirect.scatter.add.f32 [tilespmem:s26], [sflag:$0x2], $0x80, s2, s23, $0xb8;
	[tilespmem:$0x1E880] =	vst v63  }
0x5e: {  	s4 =	simm.s32 @!p1 $0x3;
	s25 =	simm.s32 $0x400;
	s2 =	simm.s32 $0x13A80  }
.LBB2_2:
0x5f: {  	[tilespmem:s24], [sflag:$0x1] =	stream.indirect.gather [hbm4b:s1+s23], $0x80, s2, s23, $0xb8;
	[tilespmem:$0x1E880] =	vst v63  }
0x60: {  	p3 =	sne.s32 s31, $0x7C00;
	s2 =	simm.s32 @!p1 $0x0;
	s8 =	simm.s32 @!p1 $0x17880  }
0x61: {  	[tilespmem:s8], [sflag:$0x3] =	stream.linear.gather @!p1 [hbm4b:s10+s2], $0x1E80, $0x38;
	[tilespmem:$0x1E880] =	vst v63  }
0x62: {  	s2 =	smov.u32 s31;
	s31 =	sadd.s32 $0x400, s31;
	_ =	swait.ge @!p1 [sflag:s4], $0x1E80  }
0x63: {  	p2 =	sne.s32 s31, $0xF400;
	[sflag:s4] =	ssyncset.done @!p1 $0x0  }
0x64: {  	[sflag:s4] =	ssyncadd.s32 @!p1 $0xFFFFE180;
	p1 =	por p3, p3  }
0x65: {  	_ =	swait.ge [sflag:s22], $0x2800  }
0x66: {  	s8 =	smov.u32 s29;
	[sflag:s22] =	ssyncset.done $0x0  }
0x67: {  	p3 =	sgt.u32 s30, $0x1F;
	s4 =	sadd.s32 $0xFFFF8400, s25;
	[sflag:s22] =	ssyncadd.s32 $0xFFFFD800  }
0x68: {  	s29 =	smov.u32 s31;
	s8 =	smov.u32 @p3 s4;
	_ =	swait.ge [sflag:s28], $0x2800  }
0x69: {  	s4 =	sshra.s32 s8, $0x2;
	[sflag:s28] =	ssyncset.done $0x0  }
0x6a: {  	s9 =	sshra.s32 s25, $0x2;
	s8 =	sadd.s32 $0x17880, s4;
	[sflag:s28] =	ssyncadd.s32 $0xFFFFD800  }
0x6b: {  	[spmem:s3] =	stream.indirect.scatter.add.f32 [tilespmem:s24], [sflag:$0x2], $0x80, s8, s23, $0xb8;
	[tilespmem:$0x1E880] =	vst v63  }
0x6c: {  	s25 =	smov.u32 s2;
	s8 =	sadd.s32 $0x13A00, s9  }
0x6d: {  	[tilespmem:s26], [sflag:$0x1] =	stream.indirect.gather [hbm4b:s1+s23], $0x80, s8, s23, $0xb8;
	[tilespmem:$0x1E880] =	vst v63  }
0x6e: {  	_ =	swait.ge [sflag:s22], $0x2800  }
0x6f: {  	[sflag:s22] =	ssyncset.done $0x0  }
0x70: {  	[sflag:s22] =	ssyncadd.s32 $0xFFFFD800  }
.Ltmp0:
0x71: {  	_ =	swait.ge [sflag:s28], $0x2800;
	(pc) =	sbr.rel @p2 .LBB2_2-.Ltmp0, $4  }
0x72: {  	[sflag:s28] =	ssyncset.done $0x0  }
0x73: {  	s2 =	sadd.s32 $0x17900, s4;
	[sflag:s28] =	ssyncadd.s32 $0xFFFFD800  }
0x74: {  	[spmem:s3] =	stream.indirect.scatter.add.f32 [tilespmem:s26], [sflag:$0x2], $0x80, s2, s23, $0xb8;
	[tilespmem:$0x1E880] =	vst v63  }
0x75: {  	s30 =	sadd.s32 $0x1, s30;
	s4 =	simm.s32 @!p1 $0x3;
	s2 =	sadd.s32 $0x13A80, s9  }
0x76: {  	[tilespmem:s24], [sflag:$0x1] =	stream.indirect.gather [hbm4b:s1+s23], $0x80, s2, s23, $0xb8;
	[tilespmem:$0x1E880] =	vst v63  }
0x77: {  	s2 =	simm.s32 @!p1 $0x0;
	s8 =	simm.s32 @!p1 $0x17880  }
0x78: {  	[tilespmem:s8], [sflag:$0x3] =	stream.linear.gather @!p1 [hbm4b:s10+s2], $0x1E80, $0x38;
	[tilespmem:$0x1E880] =	vst v63  }
0x79: {  	_ =	swait.ge @!p1 [sflag:s4], $0x1E80  }
0x7a: {  	[sflag:s4] =	ssyncset.done @!p1 $0x0  }
0x7b: {  	[sflag:s4] =	ssyncadd.s32 @!p1 $0xFFFFE180  }
0x7c: {  	_ =	swait.ge [sflag:s22], $0x2800  }
0x7d: {  	[sflag:s22] =	ssyncset.done $0x0  }
0x7e: {  	s2 =	sadd.s32 $0xFFFF8400, s25;
	p1 =	sgt.u32 s30, $0x1F;
	[sflag:s22] =	ssyncadd.s32 $0xFFFFD800  }
0x7f: {  	s29 =	smov.u32 @p1 s2;
	_ =	swait.ge [sflag:s28], $0x2800  }
0x80: {  	s2 =	sshra.s32 s29, $0x2;
	[sflag:s28] =	ssyncset.done $0x0  }
0x81: {  	s25 =	sshra.s32 s25, $0x2;
	s9 =	sadd.s32 $0x17880, s2;
	[sflag:s28] =	ssyncadd.s32 $0xFFFFD800  }
0x82: {  	[spmem:s3] =	stream.indirect.scatter.add.f32 [tilespmem:s24], [sflag:$0x2], $0x80, s9, s23, $0xb8;
	[tilespmem:$0x1E880] =	vst v63  }
0x83: {  	s29 =	sadd.s32 $0x13A00, s25  }
0x84: {  	[tilespmem:s26], [sflag:$0x1] =	stream.indirect.gather [hbm4b:s1+s23], $0x80, s29, s23, $0xb8;
	[tilespmem:$0x1E880] =	vst v63  }
0x85: {  	_ =	swait.ge [sflag:s22], $0x2800  }
0x86: {  	[sflag:s22] =	ssyncset.done $0x0  }
0x87: {  	[sflag:s22] =	ssyncadd.s32 $0xFFFFD800  }
0x88: {  	_ =	swait.ge [sflag:s28], $0x2800  }
0x89: {  	[sflag:s28] =	ssyncset.done $0x0  }
0x8a: {  	s2 =	sadd.s32 $0x17900, s2;
	[sflag:s28] =	ssyncadd.s32 $0xFFFFD800  }
0x8b: {  	[spmem:s3] =	stream.indirect.scatter.add.f32 [tilespmem:s26], [sflag:$0x2], $0x80, s2, s23, $0xb8;
	[tilespmem:$0x1E880] =	vst v63  }
0x8c: {  	s30 =	sadd.s32 $0x13A80, s25  }
0x8d: {  	[tilespmem:s24], [sflag:$0x1] =	stream.indirect.gather [hbm4b:s1+s23], $0x80, s30, s23, $0xb8;
	[tilespmem:$0x1E880] =	vst v63  }
0x8e: {  	_ =	swait.ge [sflag:s22], $0x2800  }
0x8f: {  	[sflag:s22] =	ssyncset.done $0x0  }
0x90: {  	[sflag:s22] =	ssyncadd.s32 $0xFFFFD800  }
0x91: {  	_ =	swait.ge [sflag:s28], $0x2800  }
0x92: {  	[sflag:s28] =	ssyncset.done $0x0  }
0x93: {  	s31 =	simm.s32 $0x19680;
	[sflag:s28] =	ssyncadd.s32 $0xFFFFD800  }
0x94: {  	[spmem:s3] =	stream.indirect.scatter.add.f32 [tilespmem:s24], [sflag:$0x2], $0x80, s31, s23, $0xb8;
	[tilespmem:$0x1E880] =	vst v63  }
0x95: {  	_ =	swait.ge [sflag:s28], $0x2800  }
0x96: {  	s9 =	stileid.u32;
	[sflag:s28] =	ssyncset.done $0x0  }
0x97: {  	s2 =	sshll.u32 @p0 s9, $0x6;
	[sflag:s28] =	ssyncadd.s32 $0xFFFFD800  }
0x98: {  	s4 =	sshrl.u32 @p0 s6, $0x3;
	s2 =	sor.u32 @p0 $0x1C03, s2;
	[bflag:$0x0] =	sbarrier.arrive $0xFFFF  }
0x99: {  	[hbm:s12], [sflag:s2] =	dma.local @p0 [spmem:s4], $0x2400  }
0x9a: {  	s2 =	simm.s32 @p0 $0x3  }
0x9b: {  	s0 =	sadd.s32 $0x1, s0;
	_ =	swait.ge @p0 [sflag:s2], $0x2400  }
0x9c: {  	p1 =	sne.s32 s0, s13;
	s4 =	sshll.u32 @!p0 s9, $0x6;
	[sflag:s2] =	ssyncset.done @p0 $0x0  }
0x9d: {  	[sflag:s2] =	ssyncadd.s32 @p0 $0xFFFFDC00;
	s2 =	sor.u32 @!p0 $0x1C03, s4;
	s4 =	sshrl.u32 @!p0 s6, $0x3  }
0x9e: {  	[hbm:s11], [sflag:s2] =	dma.local @!p0 [spmem:s4], $0x2780  }
.Ltmp1:
0x9f: {  	_ = 	snop;
	(pc) =	sbr.rel @p1 .LBB2_1-.Ltmp1, $4  }
0xa0: {  	s2 =	simm.s32 @!p0 $0x3  }
0xa1: {  	_ =	swait.ge @!p0 [sflag:s2], $0x2780  }
0xa2: {  	[sflag:s2] =	ssyncset.done @!p0 $0x0  }
0xa3: {  	s8 =	stileid.u32;
	[sflag:s2] =	ssyncadd.s32 @!p0 $0xFFFFD880  }
0xa4: {  	_ =	sfence.sel $0x180000  }
0xa5: {  	[bflag:$0x0] =	sbarrier.arrive $0xFFFF  }
0xa6: {  	_ =	strace $0x9000004A  }
0xa7: {  	[bflag:$0x2] =	sbarrier.arrive $0xFFFF  }
0xa8: {  	p0 =	sne.s32 s8, $0x0;
	s0 =	rddreg [dreg:$0x3]  }
0xa9: {  	s0 =	sadd.s32 @!p0 $0x100000, s0  }
0xaa: {  	[sflag:s0] =	ssyncadd.tile.s32 @!p0 $0x1;
	_ =	shalt  }
.Lfunc_end2:
_tile_overlayer_lowered:
.L_overlay_start_2:
0xab: {  	(tag) =	ssettag $0x2  }
0xac: {  	s0 =	rddreg [dreg:$0x0];
	s2 =	stileid.u32  }
0xad: {  	s1 =	rddreg [dreg:$0x1];
	p0 =	sne.s32 s2, $0x0  }
0xae: {  	s3 =	rddreg [dreg:$0x2];
	[bflag:$0x3] =	sbarrier.arrive $0xFFFF;
	s2 =	simm.s32 @!p0 $0x1C03  }
0xaf: {  	[timem:s3], [sflag:s2] =	dma.local @!p0 [hbm:s0], s1  }
0xb0: {  	s0 =	simm.s32 @!p0 $0x3  }
0xb1: {  	_ =	swait.ge @!p0 [sflag:s0], s1  }
0xb2: {  	s1 =	ssub.s32 @!p0 $0x0, s1;
	[sflag:s0] =	ssyncset.done @!p0 $0x0  }
0xb3: {  	[sflag:s0] =	ssyncadd.s32 @!p0 s1  }
0xb4: {  	[bflag:$0x3] =	sbarrier.arrive $0xFFFF  }
0xb5: {  	_ =	shalt  }

</sc_bundles>
